<compile_context>
chip_gen: v7x
topology: tpu7x:2x2x1
jax: 0.10.2.dev20260603
libtpu: 0.0.44.dev20260713+nightly
codegen_flags: <defaults>
</compile_context>

<pallas_src>
import functools

import jax
import jax.numpy as jnp
from jax import lax
from jax.experimental import pallas as pl
from jax.experimental.pallas import tpu as pltpu
from jax.experimental.pallas import tpu_sc as plsc

N = 10000
D = 128
CH = 128
NPAD = 10240
R = 1000
GRID = N // R
NSUB = 16
ROWS_PT = NPAD // NSUB



def _sc_spmm(table, src, dst, zeros, *, feat_split):
    chunks = src.shape[0] // (2 * NSUB * CH)

    mesh = plsc.VectorSubcoreMesh(core_axis_name="c", subcore_axis_name="s")

    @functools.partial(
        pl.kernel,
        out_type=jax.ShapeDtypeStruct((2 * N, D), jnp.float32),
        mesh=mesh,
        scratch_types=[
            pltpu.VMEM((CH,), jnp.int32),
            pltpu.VMEM((CH,), jnp.int32),
            pltpu.VMEM((CH, D), jnp.float32),
            pltpu.VMEM_SHARED((NPAD, D), jnp.float32),
            pltpu.SemaphoreType.DMA,
        ],
    )
    def k(tbl_h, src_h, dst_h, zer_h, out_h, src_a, dst_a,
          rows, shared, sg):
        c = lax.axis_index("c")
        s = lax.axis_index("s")
        wid = c * NSUB + s
        src_base = wid * chunks * CH
        dst_base = (s if feat_split else wid) * chunks * CH

        pltpu.sync_copy(zer_h, rows)
        row0 = s * ROWS_PT
        for j in range(ROWS_PT // CH):
            pltpu.sync_copy(rows, shared.at[pl.ds(row0 + j * CH, CH)])
        plsc.subcore_barrier()

        def step(i, carry):
            pltpu.sync_copy(src_h.at[pl.ds(src_base + i * CH, CH)], src_a)
            pltpu.async_copy(tbl_h.at[src_a], rows, sg).wait()
            pltpu.sync_copy(dst_h.at[pl.ds(dst_base + i * CH, CH)], dst_a)
            pltpu.sync_copy(rows, shared.at[dst_a], add=True)
            return carry

        lax.fori_loop(0, chunks, step, 0)
        plsc.subcore_barrier()

        out0 = c * N + row0
        pltpu.sync_copy(shared.at[pl.ds(row0, 400)],
                        out_h.at[pl.ds(out0, 400)])

        @pl.when(s < NSUB - 1)
        def _():
            pltpu.sync_copy(shared.at[pl.ds(row0 + 400, 240)],
                            out_h.at[pl.ds(out0 + 400, 240)])

    return k(table, src, dst, zeros)


def _sc_spmm3(tables, srcs_, dsts_, zeros):
    chunks = srcs_[0].shape[0] // (2 * NSUB * CH)

    mesh = plsc.VectorSubcoreMesh(core_axis_name="c", subcore_axis_name="s")

    @functools.partial(
        pl.kernel,
        out_type=jax.ShapeDtypeStruct((3 * 2 * N, D), jnp.float32),
        mesh=mesh,
        scratch_types=[
            pltpu.VMEM((CH,), jnp.int32),
            pltpu.VMEM((CH,), jnp.int32),
            pltpu.VMEM((CH, D), jnp.float32),
            pltpu.VMEM_SHARED((NPAD, D), jnp.float32),
            pltpu.SemaphoreType.DMA,
        ],
    )
    def k(t1, t2, t3, s1, s2, s3, d1, d2, d3, zer_h, out_h,
          src_a, dst_a, rows, shared, sg):
        c = lax.axis_index("c")
        s = lax.axis_index("s")
        wid = c * NSUB + s
        base = wid * chunks * CH
        row0 = s * ROWS_PT

        for ph, (tbl_h, src_h, dst_h) in enumerate(
                [(t1, s1, d1), (t2, s2, d2), (t3, s3, d3)]):
            pltpu.sync_copy(zer_h, rows)
            for j in range(ROWS_PT // CH):
                pltpu.sync_copy(rows, shared.at[pl.ds(row0 + j * CH, CH)])
            plsc.subcore_barrier()

            def step(i, carry):
                pltpu.sync_copy(src_h.at[pl.ds(base + i * CH, CH)], src_a)
                pltpu.async_copy(tbl_h.at[src_a], rows, sg).wait()
                pltpu.sync_copy(dst_h.at[pl.ds(base + i * CH, CH)], dst_a)
                pltpu.sync_copy(rows, shared.at[dst_a], add=True)
                return carry

            lax.fori_loop(0, chunks, step, 0)
            plsc.subcore_barrier()

            out0 = (2 * ph + c) * N + row0
            pltpu.sync_copy(shared.at[pl.ds(row0, 400)],
                            out_h.at[pl.ds(out0, 400)])

            @pl.when(s < NSUB - 1)
            def _():
                pltpu.sync_copy(shared.at[pl.ds(row0 + 400, 240)],
                                out_h.at[pl.ds(out0 + 400, 240)])

            plsc.subcore_barrier()

    return k(tables[0], tables[1], tables[2],
             srcs_[0], srcs_[1], srcs_[2],
             dsts_[0], dsts_[1], dsts_[2], zeros)



def _tc_supports(e1, e2, Ws1, Ws2, Wc1, Wc2):
    def body(e1_r, e2_r, w1_r, w2_r, wc1_r, wc2_r, s1_r, s2_r, sf_r):
        a = e1_r[...]
        b = e2_r[...]
        s1_r[...] = jnp.dot(a, w1_r[...], preferred_element_type=jnp.float32)
        s2_r[...] = jnp.dot(b, w2_r[...], preferred_element_type=jnp.float32)
        sf_r[...] = (jnp.dot(a, wc1_r[...], preferred_element_type=jnp.float32)
                     + jnp.dot(b, wc2_r[...], preferred_element_type=jnp.float32))

    row = pl.BlockSpec((R, D), lambda i: (i, 0))
    wspec = pl.BlockSpec((D, D), lambda i: (0, 0))
    return pl.pallas_call(
        body,
        grid=(GRID,),
        in_specs=[row, row, wspec, wspec, wspec, wspec],
        out_specs=[row, row, row],
        out_shape=[jax.ShapeDtypeStruct((N, D), jnp.float32)] * 3,
    )(e1, e2, Ws1, Ws2, Wc1, Wc2)


def _rownorm(q):
    return q / (jnp.sqrt(jnp.sum(q * q, axis=-1, keepdims=True)) + 1e-6)


_SQRTD = 128.0 ** 0.5


def _tc_eaa_reduce(fp, Wq1, Wq2, g1r, g2r):

    def body(fp_r, wq1_r, wq2_r, g1_r, g2_r, G1_r, G2_r, acc, st):
        i = pl.program_id(0)

        @pl.when(i == 0)
        def _():
            st[0] = -1e30
            st[1] = 0.0
            st[2] = -1e30
            st[3] = 0.0
            acc[...] = jnp.zeros_like(acc)

        f = fp_r[0] + fp_r[1]

        def accum(wq_r, g_r, mi, si, row):
            q = _rownorm(jnp.dot(f, wq_r[...],
                                 preferred_element_type=jnp.float32))
            qw = jnp.sum(q * g_r[...], axis=-1, keepdims=True) / _SQRTD
            m_old = st[mi]
            m_new = jnp.maximum(m_old, jnp.max(qw))
            w = jnp.exp(qw - m_new)
            scale = jnp.exp(m_old - m_new)
            st[mi] = m_new
            st[si] = st[si] * scale + jnp.sum(w)
            acc[row:row + 1, :] = (acc[row:row + 1, :] * scale
                                   + jnp.sum(w * q, axis=0, keepdims=True))

        accum(wq1_r, g1_r, 0, 1, 0)
        accum(wq2_r, g2_r, 2, 3, 1)

        @pl.when(i == GRID - 1)
        def _():
            G1_r[...] = acc[0:1, :] / st[1]
            G2_r[...] = acc[1:2, :] / st[3]

    row3 = pl.BlockSpec((2, R, D), lambda i: (0, i, 0))
    wspec = pl.BlockSpec((D, D), lambda i: (0, 0))
    gspec = pl.BlockSpec((1, D), lambda i: (0, 0))
    return pl.pallas_call(
        body,
        grid=(GRID,),
        in_specs=[row3, wspec, wspec, gspec, gspec],
        out_specs=[gspec, gspec],
        out_shape=[jax.ShapeDtypeStruct((1, D), jnp.float32)] * 2,
        scratch_shapes=[pltpu.VMEM((8, D), jnp.float32),
                        pltpu.SMEM((4,), jnp.float32)],
    )(fp, Wq1, Wq2, g1r, g2r)


def _tc_fuse(fp, s1p, s2p, Wq1, Wq2, Wk1, Wk2, Wp1, Wp2, G1, G2,
             w_omega, u_omr):

    def body(fp_r, s1p_r, s2p_r, wq1_r, wq2_r, wk1_r, wk2_r, wp1_r, wp2_r,
             G1_r, G2_r, wo_r, uo_r, z1_r, z2_r, z_r, zp_r, al_r):
        f = fp_r[0] + fp_r[1]

        def eaa(wq_r, wk_r, wp_r, G_r, sp_r):
            q = _rownorm(jnp.dot(f, wq_r[...],
                                 preferred_element_type=jnp.float32))
            k = jnp.dot(sp_r[0] + sp_r[1], wk_r[...],
                        preferred_element_type=jnp.float32)
            return jnp.dot(G_r[...] * k, wp_r[...],
                           preferred_element_type=jnp.float32) + q

        s1o = eaa(wq1_r, wk1_r, wp1_r, G1_r, s1p_r)
        s2o = eaa(wq2_r, wk2_r, wp2_r, G2_r, s2p_r)
        z1 = jnp.concatenate([s1o, f], axis=-1)
        z2 = jnp.concatenate([s2o, f], axis=-1)

        wo = wo_r[...]
        uo = uo_r[...]
        vu1 = jnp.sum(jnp.tanh(jnp.dot(z1, wo,
                                       preferred_element_type=jnp.float32))
                      * uo, axis=-1, keepdims=True)
        vu2 = jnp.sum(jnp.tanh(jnp.dot(z2, wo,
                                       preferred_element_type=jnp.float32))
                      * uo, axis=-1, keepdims=True)
        m = jnp.maximum(vu1, vu2)
        ex1 = jnp.exp(vu1 - m)
        ex2 = jnp.exp(vu2 - m)
        tot = ex1 + ex2
        a1 = ex1 / tot
        a2 = ex2 / tot
        z = a1 * z1 + a2 * z2

        z1_r[...] = z1
        z2_r[...] = z2
        z_r[...] = z
        zp_r[0] = z[:, :D]
        zp_r[1] = z[:, D:]
        al_r[...] = jnp.concatenate([a1, a2], axis=1)

    row3 = pl.BlockSpec((2, R, D), lambda i: (0, i, 0))
    w128 = pl.BlockSpec((D, D), lambda i: (0, 0))
    w256 = pl.BlockSpec((2 * D, 2 * D), lambda i: (0, 0))
    g128 = pl.BlockSpec((1, D), lambda i: (0, 0))
    g256 = pl.BlockSpec((1, 2 * D), lambda i: (0, 0))
    row2w = pl.BlockSpec((R, 2 * D), lambda i: (i, 0))
    alspec = pl.BlockSpec((R, 2), lambda i: (i, 0))
    return pl.pallas_call(
        body,
        grid=(GRID,),
        in_specs=[row3, row3, row3, w128, w128, w128, w128, w128, w128,
                  g128, g128, w256, g256],
        out_specs=[row2w, row2w, row2w, row3, alspec],
        out_shape=[
            jax.ShapeDtypeStruct((N, 2 * D), jnp.float32),
            jax.ShapeDtypeStruct((N, 2 * D), jnp.float32),
            jax.ShapeDtypeStruct((N, 2 * D), jnp.float32),
            jax.ShapeDtypeStruct((2, N, D), jnp.float32),
            jax.ShapeDtypeStruct((N, 2), jnp.float32),
        ],
    )(fp, s1p, s2p, Wq1, Wq2, Wk1, Wk2, Wp1, Wp2, G1, G2, w_omega, u_omr)


def _tc_decode(zs, Wd1a, Wd1b, Wd2a, Wd2b):
    def body(zs_r, a1_r, b1_r, a2_r, b2_r, r1_r, r2_r):
        z0 = zs_r[0]
        z1 = zs_r[1]
        r1_r[...] = (jnp.dot(z0, a1_r[...], preferred_element_type=jnp.float32)
                     + jnp.dot(z1, b1_r[...], preferred_element_type=jnp.float32))
        r2_r[...] = (jnp.dot(z0, a2_r[...], preferred_element_type=jnp.float32)
                     + jnp.dot(z1, b2_r[...], preferred_element_type=jnp.float32))

    row3 = pl.BlockSpec((2, R, D), lambda i: (0, i, 0))
    wspec = pl.BlockSpec((D, D), lambda i: (0, 0))
    row = pl.BlockSpec((R, D), lambda i: (i, 0))
    return pl.pallas_call(
        body,
        grid=(GRID,),
        in_specs=[row3, wspec, wspec, wspec, wspec],
        out_specs=[row, row],
        out_shape=[jax.ShapeDtypeStruct((N, D), jnp.float32)] * 2,
    )(zs, Wd1a, Wd1b, Wd2a, Wd2b)



def _pad_edges(adj, ep):
    src = adj[0].astype(jnp.int32)
    dst = adj[1].astype(jnp.int32)
    e = src.shape[0]
    pad = ep - e
    src_p = jnp.concatenate([src, jnp.zeros((pad,), jnp.int32)])
    dst_p = jnp.concatenate([dst, jnp.full((pad,), N, jnp.int32)])
    return src_p, dst_p


def kernel(e1_batch, e2_batch, adj_shared_batch, adj1_batch, adj2_batch,
           W_s1, W_s2, W_con, W_dec1, W_dec2,
           Wq1, Wk1, g1, Wp1, Wq2, Wk2, g2, Wp2,
           w_omega, u_omega):
    e = adj1_batch.shape[1]
    ep = ((e + 2 * NSUB * CH - 1) // (2 * NSUB * CH)) * (2 * NSUB * CH)

    src1, dst1 = _pad_edges(adj1_batch, ep)
    src2, dst2 = _pad_edges(adj2_batch, ep)
    srcs, dsts = _pad_edges(adj_shared_batch, ep)
    srcs2 = jnp.concatenate([srcs, srcs + N])
    dsts2 = dsts
    zeros = jnp.zeros((CH, D), jnp.float32)

    sup1, sup2, supf = _tc_supports(
        e1_batch, e2_batch, W_s1, W_s2, W_con[:D], W_con[D:])

    parts = _sc_spmm3((sup1, sup2, supf), (src1, src2, srcs),
                      (dst1, dst2, dsts), zeros).reshape(3, 2, N, D)
    s1p, s2p, fp = parts[0], parts[1], parts[2]

    g1r = g1.reshape(1, D)
    g2r = g2.reshape(1, D)
    G1, G2 = _tc_eaa_reduce(fp, Wq1, Wq2, g1r, g2r)

    z1, z2, z, zpair, alpha = _tc_fuse(
        fp, s1p, s2p, Wq1, Wq2, Wk1, Wk2, Wp1, Wp2, G1, G2,
        w_omega, u_omega.reshape(1, 2 * D))

    zcat = zpair.reshape(2 * N, D)
    zs = _sc_spmm(zcat, srcs2, dsts2, zeros, feat_split=True).reshape(2, N, D)

    emb_recon1, emb_recon2 = _tc_decode(
        zs, W_dec1[:D], W_dec1[D:], W_dec2[:D], W_dec2[D:])

    return z1, z2, z, emb_recon1, emb_recon2, alpha[:, :, None]

# --- scband reference (transcript-rebuilt; emitter-appended) ---
"""Pipeline reference for scband-de-pass-ae-34007551050517 (READ-ONLY COPY).

The authoritative reference and input builder live on the scoring server;
editing this copy changes nothing except your own understanding.
"""

import jax, jax.numpy as jnp
import numpy as np

N = 10000
E = 320000
D = 128  # mlplayer[-1] == dim == 128


def _gcn(x, W, edge_index, n):
    # GCN layer: support = x @ W ; out = spmm(adj, support)
    support = x @ W
    src = edge_index[0]
    dst = edge_index[1]
    msg = jnp.take(support, src, axis=0)          # gather over edges
    return jax.ops.segment_sum(msg, dst, num_segments=n)  # scatter-add to dst nodes


def _eaa(f, s, Wq, Wk, wg, Wp):
    # EfficientAdditiveAttention (SwiftFormer-style, cross: f=query source, s=key source)
    q = f @ Wq
    k = s @ Wk
    q = q / (jnp.linalg.norm(q, axis=-1, keepdims=True) + 1e-6)
    qw = (q @ wg) / jnp.sqrt(jnp.asarray(q.shape[-1], jnp.float32))  # [N,1]
    A = jax.nn.softmax(qw, axis=0)
    G = jnp.sum(A * q, axis=0)                      # global query [dim]
    return (G[None, :] * k) @ Wp + q


def _attention_layer(z1, z2, w_omega, u_omega):
    emb = jnp.stack([z1, z2], axis=1)               # [N,2,2*dim]
    v = jnp.tanh(emb @ w_omega)
    vu = v @ u_omega                                # [N,2,1]
    alpha = jax.nn.softmax(vu, axis=1)
    z = jnp.sum(emb * alpha, axis=1)                # [N,2*dim]
    return z, alpha


def setup_inputs(seed: int = 0) -> dict:
    key = jax.random.key(seed)
    ks = jax.random.split(key, 24)
    s = 0.05
    inp = {}
    inp['e1_batch'] = jax.random.normal(ks[0], (N, D), dtype=jnp.float32)
    inp['e2_batch'] = jax.random.normal(ks[1], (N, D), dtype=jnp.float32)
    inp['adj_shared_batch'] = jax.random.randint(ks[2], (2, E), 0, N)
    inp['adj1_batch'] = jax.random.randint(ks[3], (2, E), 0, N)
    inp['adj2_batch'] = jax.random.randint(ks[4], (2, E), 0, N)
    # GCN weights
    inp['W_s1'] = jax.random.normal(ks[5], (D, D), dtype=jnp.float32) * s
    inp['W_s2'] = jax.random.normal(ks[6], (D, D), dtype=jnp.float32) * s
    inp['W_con'] = jax.random.normal(ks[7], (2 * D, D), dtype=jnp.float32) * s
    inp['W_dec1'] = jax.random.normal(ks[8], (2 * D, 128), dtype=jnp.float32) * s
    inp['W_dec2'] = jax.random.normal(ks[9], (2 * D, 128), dtype=jnp.float32) * s
    # EfficientAdditiveAttention 1
    inp['Wq1'] = jax.random.normal(ks[10], (D, D), dtype=jnp.float32) * s
    inp['Wk1'] = jax.random.normal(ks[11], (D, D), dtype=jnp.float32) * s
    inp['g1'] = jax.random.normal(ks[12], (D, 1), dtype=jnp.float32) * s
    inp['Wp1'] = jax.random.normal(ks[13], (D, D), dtype=jnp.float32) * s
    # EfficientAdditiveAttention 2
    inp['Wq2'] = jax.random.normal(ks[14], (D, D), dtype=jnp.float32) * s
    inp['Wk2'] = jax.random.normal(ks[15], (D, D), dtype=jnp.float32) * s
    inp['g2'] = jax.random.normal(ks[16], (D, 1), dtype=jnp.float32) * s
    inp['Wp2'] = jax.random.normal(ks[17], (D, D), dtype=jnp.float32) * s
    # cross-omics AttentionLayer(2*dim, 2*dim)
    inp['w_omega'] = jax.random.normal(ks[18], (2 * D, 2 * D), dtype=jnp.float32) * s
    inp['u_omega'] = jax.random.normal(ks[19], (2 * D, 1), dtype=jnp.float32) * s
    return inp


def reference(e1_batch, e2_batch, adj_shared_batch, adj1_batch, adj2_batch,
              W_s1, W_s2, W_con, W_dec1, W_dec2,
              Wq1, Wk1, g1, Wp1, Wq2, Wk2, g2, Wp2,
              w_omega, u_omega):
    n = e1_batch.shape[0]
    E_fusion = jnp.concatenate([e1_batch, e2_batch], axis=-1)
    s1 = _gcn(e1_batch, W_s1, adj1_batch, n)
    s2 = _gcn(e2_batch, W_s2, adj2_batch, n)
    f = _gcn(E_fusion, W_con, adj_shared_batch, n)
    s1 = _eaa(f, s1, Wq1, Wk1, g1, Wp1)
    s2 = _eaa(f, s2, Wq2, Wk2, g2, Wp2)
    z1 = jnp.concatenate([s1, f], axis=-1)
    z2 = jnp.concatenate([s2, f], axis=-1)
    z, alpha = _attention_layer(z1, z2, w_omega, u_omega)
    emb_recon1 = _gcn(z, W_dec1, adj_shared_batch, n)
    emb_recon2 = _gcn(z, W_dec2, adj_shared_batch, n)
    return z1, z2, z, emb_recon1, emb_recon2, alpha

if __name__ == "__main__":
    import jax
    _d = setup_inputs()
    print(jax.jit(kernel)(*tuple(_d.values())))

</pallas_src>

<mosaic_0001>
#map = affine_map<(d0, d1) -> (0, 0)>
#map1 = affine_map<(d0, d1) -> (0)>
module attributes {stable_mosaic.version = 14 : i64} {
  func.func @k(%arg0: i32, %arg1: i32, %arg2: memref<20000x128xf32, #tpu.memory_space<hbm>>, %arg3: memref<647168xi32, #tpu.memory_space<hbm>>, %arg4: memref<323584xi32, #tpu.memory_space<hbm>>, %arg5: memref<128x128xf32, #tpu.memory_space<hbm>>, %arg6: memref<20000x128xf32, #tpu.memory_space<hbm>>, %arg7: memref<128xi32, #tpu.memory_space<vmem>>, %arg8: memref<128xi32, #tpu.memory_space<vmem>>, %arg9: memref<128x128xf32, #tpu.memory_space<vmem>>, %arg10: memref<10240x128xf32, #tpu.memory_space<vmem_shared>>, %arg11: memref<!tpu.dma_semaphore, #tpu.memory_space<semaphore_mem>>) attributes {dimension_semantics = [#tpu.dimension_semantics<core_parallel>, #tpu.dimension_semantics<subcore_parallel>], iteration_bounds = array<i64: 2, 16>, scalar_prefetch = 0 : i64, scratch_operands = 5 : i64, tpu.core_type = #tpu.core_type<sc_vector_subcore>, window_params = [{transform_indices = #map}, {transform_indices = #map1}, {transform_indices = #map1}, {transform_indices = #map}, {transform_indices = #map}]} {
    %mul3A = arith.constant 16 : i32
    %mul3A_0 = arith.muli %arg0, %mul3A : i32
    %add3A = arith.addi %mul3A_0, %arg1 : i32
    %mul3A_1 = arith.constant 158 : i32
    %mul3A_2 = arith.muli %add3A, %mul3A_1 : i32
    %mul3A_3 = arith.constant 128 : i32
    %mul3A_4 = arith.muli %mul3A_2, %mul3A_3 : i32
    %mul3A_5 = arith.constant 158 : i32
    %mul3A_6 = arith.muli %arg1, %mul3A_5 : i32
    %mul3A_7 = arith.constant 128 : i32
    %mul3A_8 = arith.muli %mul3A_6, %mul3A_7 : i32
    "tpu.region"() ({
      %run_scoped3A = tpu.sem_alloc : memref<!tpu.dma_semaphore, #tpu.memory_space<semaphore_mem>>
      tpu.enqueue_dma source(%arg5 : memref<128x128xf32, #tpu.memory_space<hbm>>) target(%arg9 : memref<128x128xf32, #tpu.memory_space<vmem>>) target_semaphore(%run_scoped3A : memref<!tpu.dma_semaphore, #tpu.memory_space<semaphore_mem>>)
      tpu.wait_dma2 semaphore(%run_scoped3A : memref<!tpu.dma_semaphore, #tpu.memory_space<semaphore_mem>>) src(%arg5 : memref<128x128xf32, #tpu.memory_space<hbm>>) dst(%arg9 : memref<128x128xf32, #tpu.memory_space<vmem>>)
      tpu.yield
    }) : () -> ()
    %mul3A_9 = arith.constant 640 : i32
    %mul3A_10 = arith.muli %arg1, %mul3A_9 : i32
    %add3A_11 = arith.constant 0 : i32
    %add3A_12 = arith.addi %mul3A_10, %add3A_11 : i32
    "tpu.region"() ({
      %run_scoped3A = tpu.sem_alloc : memref<!tpu.dma_semaphore, #tpu.memory_space<semaphore_mem>>
      %dma_start3A = arith.constant 0 : i32
      %dma_start3A_32 = tpu.memref_slice %arg10[%add3A_12, %dma_start3A] : memref<10240x128xf32, #tpu.memory_space<vmem_shared>> -> memref<128x128xf32, #tpu.memory_space<vmem_shared>>
      %dma_start3A_33 = arith.constant 0 : i32
      %dma_start3A_34 = tpu.memref_slice %arg10[%add3A_12, %dma_start3A_33] : memref<10240x128xf32, #tpu.memory_space<vmem_shared>> -> memref<128x128xf32, #tpu.memory_space<vmem_shared>>
      tpu.enqueue_dma source(%arg9 : memref<128x128xf32, #tpu.memory_space<vmem>>) target(%dma_start3A_34 : memref<128x128xf32, #tpu.memory_space<vmem_shared>>) target_semaphore(%run_scoped3A : memref<!tpu.dma_semaphore, #tpu.memory_space<semaphore_mem>>)
      %dma_wait3A = arith.constant 0 : i32
      %dma_wait3A_35 = tpu.memref_slice %arg10[%add3A_12, %dma_wait3A] : memref<10240x128xf32, #tpu.memory_space<vmem_shared>> -> memref<128x128xf32, #tpu.memory_space<vmem_shared>>
      %dma_wait3A_36 = arith.constant 0 : i32
      %dma_wait3A_37 = tpu.memref_slice %arg10[%add3A_12, %dma_wait3A_36] : memref<10240x128xf32, #tpu.memory_space<vmem_shared>> -> memref<128x128xf32, #tpu.memory_space<vmem_shared>>
      tpu.wait_dma2 semaphore(%run_scoped3A : memref<!tpu.dma_semaphore, #tpu.memory_space<semaphore_mem>>) src(%arg9 : memref<128x128xf32, #tpu.memory_space<vmem>>) dst(%dma_wait3A_37 : memref<128x128xf32, #tpu.memory_space<vmem_shared>>)
      tpu.yield
    }) : () -> ()
    %add3A_13 = arith.constant 128 : i32
    %add3A_14 = arith.addi %mul3A_10, %add3A_13 : i32
    "tpu.region"() ({
      %run_scoped3A = tpu.sem_alloc : memref<!tpu.dma_semaphore, #tpu.memory_space<semaphore_mem>>
      %dma_start3A = arith.constant 0 : i32
      %dma_start3A_32 = tpu.memref_slice %arg10[%add3A_14, %dma_start3A] : memref<10240x128xf32, #tpu.memory_space<vmem_shared>> -> memref<128x128xf32, #tpu.memory_space<vmem_shared>>
      %dma_start3A_33 = arith.constant 0 : i32
      %dma_start3A_34 = tpu.memref_slice %arg10[%add3A_14, %dma_start3A_33] : memref<10240x128xf32, #tpu.memory_space<vmem_shared>> -> memref<128x128xf32, #tpu.memory_space<vmem_shared>>
      tpu.enqueue_dma source(%arg9 : memref<128x128xf32, #tpu.memory_space<vmem>>) target(%dma_start3A_34 : memref<128x128xf32, #tpu.memory_space<vmem_shared>>) target_semaphore(%run_scoped3A : memref<!tpu.dma_semaphore, #tpu.memory_space<semaphore_mem>>)
      %dma_wait3A = arith.constant 0 : i32
      %dma_wait3A_35 = tpu.memref_slice %arg10[%add3A_14, %dma_wait3A] : memref<10240x128xf32, #tpu.memory_space<vmem_shared>> -> memref<128x128xf32, #tpu.memory_space<vmem_shared>>
      %dma_wait3A_36 = arith.constant 0 : i32
      %dma_wait3A_37 = tpu.memref_slice %arg10[%add3A_14, %dma_wait3A_36] : memref<10240x128xf32, #tpu.memory_space<vmem_shared>> -> memref<128x128xf32, #tpu.memory_space<vmem_shared>>
      tpu.wait_dma2 semaphore(%run_scoped3A : memref<!tpu.dma_semaphore, #tpu.memory_space<semaphore_mem>>) src(%arg9 : memref<128x128xf32, #tpu.memory_space<vmem>>) dst(%dma_wait3A_37 : memref<128x128xf32, #tpu.memory_space<vmem_shared>>)
      tpu.yield
    }) : () -> ()
    %add3A_15 = arith.constant 256 : i32
    %add3A_16 = arith.addi %mul3A_10, %add3A_15 : i32
    "tpu.region"() ({
      %run_scoped3A = tpu.sem_alloc : memref<!tpu.dma_semaphore, #tpu.memory_space<semaphore_mem>>
      %dma_start3A = arith.constant 0 : i32
      %dma_start3A_32 = tpu.memref_slice %arg10[%add3A_16, %dma_start3A] : memref<10240x128xf32, #tpu.memory_space<vmem_shared>> -> memref<128x128xf32, #tpu.memory_space<vmem_shared>>
      %dma_start3A_33 = arith.constant 0 : i32
      %dma_start3A_34 = tpu.memref_slice %arg10[%add3A_16, %dma_start3A_33] : memref<10240x128xf32, #tpu.memory_space<vmem_shared>> -> memref<128x128xf32, #tpu.memory_space<vmem_shared>>
      tpu.enqueue_dma source(%arg9 : memref<128x128xf32, #tpu.memory_space<vmem>>) target(%dma_start3A_34 : memref<128x128xf32, #tpu.memory_space<vmem_shared>>) target_semaphore(%run_scoped3A : memref<!tpu.dma_semaphore, #tpu.memory_space<semaphore_mem>>)
      %dma_wait3A = arith.constant 0 : i32
      %dma_wait3A_35 = tpu.memref_slice %arg10[%add3A_16, %dma_wait3A] : memref<10240x128xf32, #tpu.memory_space<vmem_shared>> -> memref<128x128xf32, #tpu.memory_space<vmem_shared>>
      %dma_wait3A_36 = arith.constant 0 : i32
      %dma_wait3A_37 = tpu.memref_slice %arg10[%add3A_16, %dma_wait3A_36] : memref<10240x128xf32, #tpu.memory_space<vmem_shared>> -> memref<128x128xf32, #tpu.memory_space<vmem_shared>>
      tpu.wait_dma2 semaphore(%run_scoped3A : memref<!tpu.dma_semaphore, #tpu.memory_space<semaphore_mem>>) src(%arg9 : memref<128x128xf32, #tpu.memory_space<vmem>>) dst(%dma_wait3A_37 : memref<128x128xf32, #tpu.memory_space<vmem_shared>>)
      tpu.yield
    }) : () -> ()
    %add3A_17 = arith.constant 384 : i32
    %add3A_18 = arith.addi %mul3A_10, %add3A_17 : i32
    "tpu.region"() ({
      %run_scoped3A = tpu.sem_alloc : memref<!tpu.dma_semaphore, #tpu.memory_space<semaphore_mem>>
      %dma_start3A = arith.constant 0 : i32
      %dma_start3A_32 = tpu.memref_slice %arg10[%add3A_18, %dma_start3A] : memref<10240x128xf32, #tpu.memory_space<vmem_shared>> -> memref<128x128xf32, #tpu.memory_space<vmem_shared>>
      %dma_start3A_33 = arith.constant 0 : i32
      %dma_start3A_34 = tpu.memref_slice %arg10[%add3A_18, %dma_start3A_33] : memref<10240x128xf32, #tpu.memory_space<vmem_shared>> -> memref<128x128xf32, #tpu.memory_space<vmem_shared>>
      tpu.enqueue_dma source(%arg9 : memref<128x128xf32, #tpu.memory_space<vmem>>) target(%dma_start3A_34 : memref<128x128xf32, #tpu.memory_space<vmem_shared>>) target_semaphore(%run_scoped3A : memref<!tpu.dma_semaphore, #tpu.memory_space<semaphore_mem>>)
      %dma_wait3A = arith.constant 0 : i32
      %dma_wait3A_35 = tpu.memref_slice %arg10[%add3A_18, %dma_wait3A] : memref<10240x128xf32, #tpu.memory_space<vmem_shared>> -> memref<128x128xf32, #tpu.memory_space<vmem_shared>>
      %dma_wait3A_36 = arith.constant 0 : i32
      %dma_wait3A_37 = tpu.memref_slice %arg10[%add3A_18, %dma_wait3A_36] : memref<10240x128xf32, #tpu.memory_space<vmem_shared>> -> memref<128x128xf32, #tpu.memory_space<vmem_shared>>
      tpu.wait_dma2 semaphore(%run_scoped3A : memref<!tpu.dma_semaphore, #tpu.memory_space<semaphore_mem>>) src(%arg9 : memref<128x128xf32, #tpu.memory_space<vmem>>) dst(%dma_wait3A_37 : memref<128x128xf32, #tpu.memory_space<vmem_shared>>)
      tpu.yield
    }) : () -> ()
    %add3A_19 = arith.constant 512 : i32
    %add3A_20 = arith.addi %mul3A_10, %add3A_19 : i32
    "tpu.region"() ({
      %run_scoped3A = tpu.sem_alloc : memref<!tpu.dma_semaphore, #tpu.memory_space<semaphore_mem>>
      %dma_start3A = arith.constant 0 : i32
      %dma_start3A_32 = tpu.memref_slice %arg10[%add3A_20, %dma_start3A] : memref<10240x128xf32, #tpu.memory_space<vmem_shared>> -> memref<128x128xf32, #tpu.memory_space<vmem_shared>>
      %dma_start3A_33 = arith.constant 0 : i32
      %dma_start3A_34 = tpu.memref_slice %arg10[%add3A_20, %dma_start3A_33] : memref<10240x128xf32, #tpu.memory_space<vmem_shared>> -> memref<128x128xf32, #tpu.memory_space<vmem_shared>>
      tpu.enqueue_dma source(%arg9 : memref<128x128xf32, #tpu.memory_space<vmem>>) target(%dma_start3A_34 : memref<128x128xf32, #tpu.memory_space<vmem_shared>>) target_semaphore(%run_scoped3A : memref<!tpu.dma_semaphore, #tpu.memory_space<semaphore_mem>>)
      %dma_wait3A = arith.constant 0 : i32
      %dma_wait3A_35 = tpu.memref_slice %arg10[%add3A_20, %dma_wait3A] : memref<10240x128xf32, #tpu.memory_space<vmem_shared>> -> memref<128x128xf32, #tpu.memory_space<vmem_shared>>
      %dma_wait3A_36 = arith.constant 0 : i32
      %dma_wait3A_37 = tpu.memref_slice %arg10[%add3A_20, %dma_wait3A_36] : memref<10240x128xf32, #tpu.memory_space<vmem_shared>> -> memref<128x128xf32, #tpu.memory_space<vmem_shared>>
      tpu.wait_dma2 semaphore(%run_scoped3A : memref<!tpu.dma_semaphore, #tpu.memory_space<semaphore_mem>>) src(%arg9 : memref<128x128xf32, #tpu.memory_space<vmem>>) dst(%dma_wait3A_37 : memref<128x128xf32, #tpu.memory_space<vmem_shared>>)
      tpu.yield
    }) : () -> ()
    %barrier3A = arith.constant 0 : index
    tpu.barrier barrier_id(%barrier3A)
    %scan3A = arith.constant 0 : i32
    %scan3A_21 = arith.constant 0 : i32
    %scan3A_22 = arith.constant 158 : i32
    %scan3A_23 = arith.addi %scan3A_21, %scan3A_22 : i32
    %scan3A_24 = arith.constant 1 : i32
    scf.for %scan3A_32 = %scan3A_21 to %scan3A_23 step %scan3A_24  : i32 {
      %mul3A_33 = arith.constant 128 : i32
      %mul3A_34 = arith.muli %scan3A_32, %mul3A_33 : i32
      %add3A_35 = arith.addi %mul3A_4, %mul3A_34 : i32
      "tpu.region"() ({
        %run_scoped3A = tpu.sem_alloc : memref<!tpu.dma_semaphore, #tpu.memory_space<semaphore_mem>>
        %dma_start3A_43 = tpu.memref_slice %arg3[%add3A_35] : memref<647168xi32, #tpu.memory_space<hbm>> -> memref<128xi32, #tpu.memory_space<hbm>>
        %dma_start3A_44 = tpu.memref_slice %arg3[%add3A_35] : memref<647168xi32, #tpu.memory_space<hbm>> -> memref<128xi32, #tpu.memory_space<hbm>>
        tpu.enqueue_dma source(%dma_start3A_44 : memref<128xi32, #tpu.memory_space<hbm>>) target(%arg7 : memref<128xi32, #tpu.memory_space<vmem>>) target_semaphore(%run_scoped3A : memref<!tpu.dma_semaphore, #tpu.memory_space<semaphore_mem>>)
        %dma_wait3A_45 = tpu.memref_slice %arg3[%add3A_35] : memref<647168xi32, #tpu.memory_space<hbm>> -> memref<128xi32, #tpu.memory_space<hbm>>
        %dma_wait3A_46 = tpu.memref_slice %arg3[%add3A_35] : memref<647168xi32, #tpu.memory_space<hbm>> -> memref<128xi32, #tpu.memory_space<hbm>>
        tpu.wait_dma2 semaphore(%run_scoped3A : memref<!tpu.dma_semaphore, #tpu.memory_space<semaphore_mem>>) src(%dma_wait3A_46 : memref<128xi32, #tpu.memory_space<hbm>>) dst(%arg7 : memref<128xi32, #tpu.memory_space<vmem>>)
        tpu.yield
      }) : () -> ()
      %dma_start3A = arith.constant 0 : i32
      %dma_start3A_36 = arith.constant 0 : i32
      %dma_start3A_37 = tpu.memref_slice %arg2[%dma_start3A, %dma_start3A_36] : memref<20000x128xf32, #tpu.memory_space<hbm>> -> memref<20000x128xf32, #tpu.memory_space<hbm>>
      tpu.enqueue_indirect_dma source(%dma_start3A_37 : memref<20000x128xf32, #tpu.memory_space<hbm>>) target(%arg9 : memref<128x128xf32, #tpu.memory_space<vmem>>) offsets(%arg7 : memref<128xi32, #tpu.memory_space<vmem>>) semaphore(%arg11 : memref<!tpu.dma_semaphore, #tpu.memory_space<semaphore_mem>>)
      %dma_wait3A = arith.constant 0 : i32
      %dma_wait3A_38 = arith.constant 0 : i32
      %dma_wait3A_39 = tpu.memref_slice %arg2[%dma_wait3A, %dma_wait3A_38] : memref<20000x128xf32, #tpu.memory_space<hbm>> -> memref<20000x128xf32, #tpu.memory_space<hbm>>
      tpu.wait_indirect_dma semaphore(%arg11 : memref<!tpu.dma_semaphore, #tpu.memory_space<semaphore_mem>>) src(%dma_wait3A_39 : memref<20000x128xf32, #tpu.memory_space<hbm>>) dst(%arg9 : memref<128x128xf32, #tpu.memory_space<vmem>>)
      %mul3A_40 = arith.constant 128 : i32
      %mul3A_41 = arith.muli %scan3A_32, %mul3A_40 : i32
      %add3A_42 = arith.addi %mul3A_8, %mul3A_41 : i32
      "tpu.region"() ({
        %run_scoped3A = tpu.sem_alloc : memref<!tpu.dma_semaphore, #tpu.memory_space<semaphore_mem>>
        %dma_start3A_43 = tpu.memref_slice %arg4[%add3A_42] : memref<323584xi32, #tpu.memory_space<hbm>> -> memref<128xi32, #tpu.memory_space<hbm>>
        %dma_start3A_44 = tpu.memref_slice %arg4[%add3A_42] : memref<323584xi32, #tpu.memory_space<hbm>> -> memref<128xi32, #tpu.memory_space<hbm>>
        tpu.enqueue_dma source(%dma_start3A_44 : memref<128xi32, #tpu.memory_space<hbm>>) target(%arg8 : memref<128xi32, #tpu.memory_space<vmem>>) target_semaphore(%run_scoped3A : memref<!tpu.dma_semaphore, #tpu.memory_space<semaphore_mem>>)
        %dma_wait3A_45 = tpu.memref_slice %arg4[%add3A_42] : memref<323584xi32, #tpu.memory_space<hbm>> -> memref<128xi32, #tpu.memory_space<hbm>>
        %dma_wait3A_46 = tpu.memref_slice %arg4[%add3A_42] : memref<323584xi32, #tpu.memory_space<hbm>> -> memref<128xi32, #tpu.memory_space<hbm>>
        tpu.wait_dma2 semaphore(%run_scoped3A : memref<!tpu.dma_semaphore, #tpu.memory_space<semaphore_mem>>) src(%dma_wait3A_46 : memref<128xi32, #tpu.memory_space<hbm>>) dst(%arg8 : memref<128xi32, #tpu.memory_space<vmem>>)
        tpu.yield
      }) : () -> ()
      "tpu.region"() ({
        %run_scoped3A = tpu.sem_alloc : memref<!tpu.dma_semaphore, #tpu.memory_space<semaphore_mem>>
        %dma_start3A_43 = arith.constant 0 : i32
        %dma_start3A_44 = arith.constant 0 : i32
        %dma_start3A_45 = tpu.memref_slice %arg10[%dma_start3A_43, %dma_start3A_44] : memref<10240x128xf32, #tpu.memory_space<vmem_shared>> -> memref<10240x128xf32, #tpu.memory_space<vmem_shared>>
        tpu.enqueue_indirect_dma source(%arg9 : memref<128x128xf32, #tpu.memory_space<vmem>>) target(%dma_start3A_45 : memref<10240x128xf32, #tpu.memory_space<vmem_shared>>) offsets(%arg8 : memref<128xi32, #tpu.memory_space<vmem>>) semaphore(%run_scoped3A : memref<!tpu.dma_semaphore, #tpu.memory_space<semaphore_mem>>) {add = true}
        %dma_wait3A_46 = arith.constant 0 : i32
        %dma_wait3A_47 = arith.constant 0 : i32
        %dma_wait3A_48 = tpu.memref_slice %arg10[%dma_wait3A_46, %dma_wait3A_47] : memref<10240x128xf32, #tpu.memory_space<vmem_shared>> -> memref<10240x128xf32, #tpu.memory_space<vmem_shared>>
        tpu.wait_indirect_dma semaphore(%run_scoped3A : memref<!tpu.dma_semaphore, #tpu.memory_space<semaphore_mem>>) src(%arg9 : memref<128x128xf32, #tpu.memory_space<vmem>>) dst(%dma_wait3A_48 : memref<10240x128xf32, #tpu.memory_space<vmem_shared>>)
        tpu.yield
      }) : () -> ()
    }
    %scan3A_25 = arith.constant 158 : i32
    %barrier3A_26 = arith.constant 0 : index
    tpu.barrier barrier_id(%barrier3A_26)
    %mul3A_27 = arith.constant 10000 : i32
    %mul3A_28 = arith.muli %arg0, %mul3A_27 : i32
    %add3A_29 = arith.addi %mul3A_28, %mul3A_10 : i32
    "tpu.region"() ({
      %run_scoped3A = tpu.sem_alloc : memref<!tpu.dma_semaphore, #tpu.memory_space<semaphore_mem>>
      %dma_start3A = arith.constant 0 : i32
      %dma_start3A_32 = tpu.memref_slice %arg6[%add3A_29, %dma_start3A] : memref<20000x128xf32, #tpu.memory_space<hbm>> -> memref<400x128xf32, #tpu.memory_space<hbm>>
      %dma_start3A_33 = arith.constant 0 : i32
      %dma_start3A_34 = tpu.memref_slice %arg10[%mul3A_10, %dma_start3A_33] : memref<10240x128xf32, #tpu.memory_space<vmem_shared>> -> memref<400x128xf32, #tpu.memory_space<vmem_shared>>
      tpu.enqueue_dma source(%dma_start3A_34 : memref<400x128xf32, #tpu.memory_space<vmem_shared>>) target(%dma_start3A_32 : memref<400x128xf32, #tpu.memory_space<hbm>>) target_semaphore(%run_scoped3A : memref<!tpu.dma_semaphore, #tpu.memory_space<semaphore_mem>>)
      %dma_wait3A = arith.constant 0 : i32
      %dma_wait3A_35 = tpu.memref_slice %arg6[%add3A_29, %dma_wait3A] : memref<20000x128xf32, #tpu.memory_space<hbm>> -> memref<400x128xf32, #tpu.memory_space<hbm>>
      %dma_wait3A_36 = arith.constant 0 : i32
      %dma_wait3A_37 = tpu.memref_slice %arg10[%mul3A_10, %dma_wait3A_36] : memref<10240x128xf32, #tpu.memory_space<vmem_shared>> -> memref<400x128xf32, #tpu.memory_space<vmem_shared>>
      tpu.wait_dma2 semaphore(%run_scoped3A : memref<!tpu.dma_semaphore, #tpu.memory_space<semaphore_mem>>) src(%dma_wait3A_37 : memref<400x128xf32, #tpu.memory_space<vmem_shared>>) dst(%dma_wait3A_35 : memref<400x128xf32, #tpu.memory_space<hbm>>)
      tpu.yield
    }) : () -> ()
    %lt3A = arith.constant 15 : i32
    %lt3A_30 = arith.cmpi slt, %arg1, %lt3A : i32
    %convert_element_type3A = arith.extui %lt3A_30 : i1 to i32
    %cond3A = arith.constant 0 : i32
    %cond3A_31 = arith.cmpi ne, %convert_element_type3A, %cond3A : i32
    scf.if %cond3A_31 {
      %add3A_32 = arith.constant 400 : i32
      %add3A_33 = arith.addi %mul3A_10, %add3A_32 : i32
      %add3A_34 = arith.constant 400 : i32
      %add3A_35 = arith.addi %add3A_29, %add3A_34 : i32
      "tpu.region"() ({
        %run_scoped3A = tpu.sem_alloc : memref<!tpu.dma_semaphore, #tpu.memory_space<semaphore_mem>>
        %dma_start3A = arith.constant 0 : i32
        %dma_start3A_36 = tpu.memref_slice %arg6[%add3A_35, %dma_start3A] : memref<20000x128xf32, #tpu.memory_space<hbm>> -> memref<240x128xf32, #tpu.memory_space<hbm>>
        %dma_start3A_37 = arith.constant 0 : i32
        %dma_start3A_38 = tpu.memref_slice %arg10[%add3A_33, %dma_start3A_37] : memref<10240x128xf32, #tpu.memory_space<vmem_shared>> -> memref<240x128xf32, #tpu.memory_space<vmem_shared>>
        tpu.enqueue_dma source(%dma_start3A_38 : memref<240x128xf32, #tpu.memory_space<vmem_shared>>) target(%dma_start3A_36 : memref<240x128xf32, #tpu.memory_space<hbm>>) target_semaphore(%run_scoped3A : memref<!tpu.dma_semaphore, #tpu.memory_space<semaphore_mem>>)
        %dma_wait3A = arith.constant 0 : i32
        %dma_wait3A_39 = tpu.memref_slice %arg6[%add3A_35, %dma_wait3A] : memref<20000x128xf32, #tpu.memory_space<hbm>> -> memref<240x128xf32, #tpu.memory_space<hbm>>
        %dma_wait3A_40 = arith.constant 0 : i32
        %dma_wait3A_41 = tpu.memref_slice %arg10[%add3A_33, %dma_wait3A_40] : memref<10240x128xf32, #tpu.memory_space<vmem_shared>> -> memref<240x128xf32, #tpu.memory_space<vmem_shared>>
        tpu.wait_dma2 semaphore(%run_scoped3A : memref<!tpu.dma_semaphore, #tpu.memory_space<semaphore_mem>>) src(%dma_wait3A_41 : memref<240x128xf32, #tpu.memory_space<vmem_shared>>) dst(%dma_wait3A_39 : memref<240x128xf32, #tpu.memory_space<hbm>>)
        tpu.yield
      }) : () -> ()
    } else {
    }
    return
  }
}

#map = affine_map<(d0, d1) -> (0, 0)>
#map1 = affine_map<(d0, d1) -> (0)>
module attributes {stable_mosaic.version = 14 : i64} {
  func.func @k(%arg0: i32, %arg1: i32, %arg2: memref<10000x128xf32, #tpu.memory_space<hbm>>, %arg3: memref<10000x128xf32, #tpu.memory_space<hbm>>, %arg4: memref<10000x128xf32, #tpu.memory_space<hbm>>, %arg5: memref<323584xi32, #tpu.memory_space<hbm>>, %arg6: memref<323584xi32, #tpu.memory_space<hbm>>, %arg7: memref<323584xi32, #tpu.memory_space<hbm>>, %arg8: memref<323584xi32, #tpu.memory_space<hbm>>, %arg9: memref<323584xi32, #tpu.memory_space<hbm>>, %arg10: memref<323584xi32, #tpu.memory_space<hbm>>, %arg11: memref<128x128xf32, #tpu.memory_space<hbm>>, %arg12: memref<60000x128xf32, #tpu.memory_space<hbm>>, %arg13: memref<128xi32, #tpu.memory_space<vmem>>, %arg14: memref<128xi32, #tpu.memory_space<vmem>>, %arg15: memref<128x128xf32, #tpu.memory_space<vmem>>, %arg16: memref<10240x128xf32, #tpu.memory_space<vmem_shared>>, %arg17: memref<!tpu.dma_semaphore, #tpu.memory_space<semaphore_mem>>) attributes {dimension_semantics = [#tpu.dimension_semantics<core_parallel>, #tpu.dimension_semantics<subcore_parallel>], iteration_bounds = array<i64: 2, 16>, scalar_prefetch = 0 : i64, scratch_operands = 5 : i64, tpu.core_type = #tpu.core_type<sc_vector_subcore>, window_params = [{transform_indices = #map}, {transform_indices = #map}, {transform_indices = #map}, {transform_indices = #map1}, {transform_indices = #map1}, {transform_indices = #map1}, {transform_indices = #map1}, {transform_indices = #map1}, {transform_indices = #map1}, {transform_indices = #map}, {transform_indices = #map}]} {
    %mul3A = arith.constant 16 : i32
    %mul3A_0 = arith.muli %arg0, %mul3A : i32
    %add3A = arith.addi %mul3A_0, %arg1 : i32
    %mul3A_1 = arith.constant 79 : i32
    %mul3A_2 = arith.muli %add3A, %mul3A_1 : i32
    %mul3A_3 = arith.constant 128 : i32
    %mul3A_4 = arith.muli %mul3A_2, %mul3A_3 : i32
    %mul3A_5 = arith.constant 640 : i32
    %mul3A_6 = arith.muli %arg1, %mul3A_5 : i32
    "tpu.region"() ({
      %run_scoped3A = tpu.sem_alloc : memref<!tpu.dma_semaphore, #tpu.memory_space<semaphore_mem>>
      tpu.enqueue_dma source(%arg11 : memref<128x128xf32, #tpu.memory_space<hbm>>) target(%arg15 : memref<128x128xf32, #tpu.memory_space<vmem>>) target_semaphore(%run_scoped3A : memref<!tpu.dma_semaphore, #tpu.memory_space<semaphore_mem>>)
      tpu.wait_dma2 semaphore(%run_scoped3A : memref<!tpu.dma_semaphore, #tpu.memory_space<semaphore_mem>>) src(%arg11 : memref<128x128xf32, #tpu.memory_space<hbm>>) dst(%arg15 : memref<128x128xf32, #tpu.memory_space<vmem>>)
      tpu.yield
    }) : () -> ()
    %add3A_7 = arith.constant 0 : i32
    %add3A_8 = arith.addi %mul3A_6, %add3A_7 : i32
    "tpu.region"() ({
      %run_scoped3A = tpu.sem_alloc : memref<!tpu.dma_semaphore, #tpu.memory_space<semaphore_mem>>
      %dma_start3A = arith.constant 0 : i32
      %dma_start3A_89 = tpu.memref_slice %arg16[%add3A_8, %dma_start3A] : memref<10240x128xf32, #tpu.memory_space<vmem_shared>> -> memref<128x128xf32, #tpu.memory_space<vmem_shared>>
      %dma_start3A_90 = arith.constant 0 : i32
      %dma_start3A_91 = tpu.memref_slice %arg16[%add3A_8, %dma_start3A_90] : memref<10240x128xf32, #tpu.memory_space<vmem_shared>> -> memref<128x128xf32, #tpu.memory_space<vmem_shared>>
      tpu.enqueue_dma source(%arg15 : memref<128x128xf32, #tpu.memory_space<vmem>>) target(%dma_start3A_91 : memref<128x128xf32, #tpu.memory_space<vmem_shared>>) target_semaphore(%run_scoped3A : memref<!tpu.dma_semaphore, #tpu.memory_space<semaphore_mem>>)
      %dma_wait3A = arith.constant 0 : i32
      %dma_wait3A_92 = tpu.memref_slice %arg16[%add3A_8, %dma_wait3A] : memref<10240x128xf32, #tpu.memory_space<vmem_shared>> -> memref<128x128xf32, #tpu.memory_space<vmem_shared>>
      %dma_wait3A_93 = arith.constant 0 : i32
      %dma_wait3A_94 = tpu.memref_slice %arg16[%add3A_8, %dma_wait3A_93] : memref<10240x128xf32, #tpu.memory_space<vmem_shared>> -> memref<128x128xf32, #tpu.memory_space<vmem_shared>>
      tpu.wait_dma2 semaphore(%run_scoped3A : memref<!tpu.dma_semaphore, #tpu.memory_space<semaphore_mem>>) src(%arg15 : memref<128x128xf32, #tpu.memory_space<vmem>>) dst(%dma_wait3A_94 : memref<128x128xf32, #tpu.memory_space<vmem_shared>>)
      tpu.yield
    }) : () -> ()
    %add3A_9 = arith.constant 128 : i32
    %add3A_10 = arith.addi %mul3A_6, %add3A_9 : i32
    "tpu.region"() ({
      %run_scoped3A = tpu.sem_alloc : memref<!tpu.dma_semaphore, #tpu.memory_space<semaphore_mem>>
      %dma_start3A = arith.constant 0 : i32
      %dma_start3A_89 = tpu.memref_slice %arg16[%add3A_10, %dma_start3A] : memref<10240x128xf32, #tpu.memory_space<vmem_shared>> -> memref<128x128xf32, #tpu.memory_space<vmem_shared>>
      %dma_start3A_90 = arith.constant 0 : i32
      %dma_start3A_91 = tpu.memref_slice %arg16[%add3A_10, %dma_start3A_90] : memref<10240x128xf32, #tpu.memory_space<vmem_shared>> -> memref<128x128xf32, #tpu.memory_space<vmem_shared>>
      tpu.enqueue_dma source(%arg15 : memref<128x128xf32, #tpu.memory_space<vmem>>) target(%dma_start3A_91 : memref<128x128xf32, #tpu.memory_space<vmem_shared>>) target_semaphore(%run_scoped3A : memref<!tpu.dma_semaphore, #tpu.memory_space<semaphore_mem>>)
      %dma_wait3A = arith.constant 0 : i32
      %dma_wait3A_92 = tpu.memref_slice %arg16[%add3A_10, %dma_wait3A] : memref<10240x128xf32, #tpu.memory_space<vmem_shared>> -> memref<128x128xf32, #tpu.memory_space<vmem_shared>>
      %dma_wait3A_93 = arith.constant 0 : i32
      %dma_wait3A_94 = tpu.memref_slice %arg16[%add3A_10, %dma_wait3A_93] : memref<10240x128xf32, #tpu.memory_space<vmem_shared>> -> memref<128x128xf32, #tpu.memory_space<vmem_shared>>
      tpu.wait_dma2 semaphore(%run_scoped3A : memref<!tpu.dma_semaphore, #tpu.memory_space<semaphore_mem>>) src(%arg15 : memref<128x128xf32, #tpu.memory_space<vmem>>) dst(%dma_wait3A_94 : memref<128x128xf32, #tpu.memory_space<vmem_shared>>)
      tpu.yield
    }) : () -> ()
    %add3A_11 = arith.constant 256 : i32
    %add3A_12 = arith.addi %mul3A_6, %add3A_11 : i32
    "tpu.region"() ({
      %run_scoped3A = tpu.sem_alloc : memref<!tpu.dma_semaphore, #tpu.memory_space<semaphore_mem>>
      %dma_start3A = arith.constant 0 : i32
      %dma_start3A_89 = tpu.memref_slice %arg16[%add3A_12, %dma_start3A] : memref<10240x128xf32, #tpu.memory_space<vmem_shared>> -> memref<128x128xf32, #tpu.memory_space<vmem_shared>>
      %dma_start3A_90 = arith.constant 0 : i32
      %dma_start3A_91 = tpu.memref_slice %arg16[%add3A_12, %dma_start3A_90] : memref<10240x128xf32, #tpu.memory_space<vmem_shared>> -> memref<128x128xf32, #tpu.memory_space<vmem_shared>>
      tpu.enqueue_dma source(%arg15 : memref<128x128xf32, #tpu.memory_space<vmem>>) target(%dma_start3A_91 : memref<128x128xf32, #tpu.memory_space<vmem_shared>>) target_semaphore(%run_scoped3A : memref<!tpu.dma_semaphore, #tpu.memory_space<semaphore_mem>>)
      %dma_wait3A = arith.constant 0 : i32
      %dma_wait3A_92 = tpu.memref_slice %arg16[%add3A_12, %dma_wait3A] : memref<10240x128xf32, #tpu.memory_space<vmem_shared>> -> memref<128x128xf32, #tpu.memory_space<vmem_shared>>
      %dma_wait3A_93 = arith.constant 0 : i32
      %dma_wait3A_94 = tpu.memref_slice %arg16[%add3A_12, %dma_wait3A_93] : memref<10240x128xf32, #tpu.memory_space<vmem_shared>> -> memref<128x128xf32, #tpu.memory_space<vmem_shared>>
      tpu.wait_dma2 semaphore(%run_scoped3A : memref<!tpu.dma_semaphore, #tpu.memory_space<semaphore_mem>>) src(%arg15 : memref<128x128xf32, #tpu.memory_space<vmem>>) dst(%dma_wait3A_94 : memref<128x128xf32, #tpu.memory_space<vmem_shared>>)
      tpu.yield
    }) : () -> ()
    %add3A_13 = arith.constant 384 : i32
    %add3A_14 = arith.addi %mul3A_6, %add3A_13 : i32
    "tpu.region"() ({
      %run_scoped3A = tpu.sem_alloc : memref<!tpu.dma_semaphore, #tpu.memory_space<semaphore_mem>>
      %dma_start3A = arith.constant 0 : i32
      %dma_start3A_89 = tpu.memref_slice %arg16[%add3A_14, %dma_start3A] : memref<10240x128xf32, #tpu.memory_space<vmem_shared>> -> memref<128x128xf32, #tpu.memory_space<vmem_shared>>
      %dma_start3A_90 = arith.constant 0 : i32
      %dma_start3A_91 = tpu.memref_slice %arg16[%add3A_14, %dma_start3A_90] : memref<10240x128xf32, #tpu.memory_space<vmem_shared>> -> memref<128x128xf32, #tpu.memory_space<vmem_shared>>
      tpu.enqueue_dma source(%arg15 : memref<128x128xf32, #tpu.memory_space<vmem>>) target(%dma_start3A_91 : memref<128x128xf32, #tpu.memory_space<vmem_shared>>) target_semaphore(%run_scoped3A : memref<!tpu.dma_semaphore, #tpu.memory_space<semaphore_mem>>)
      %dma_wait3A = arith.constant 0 : i32
      %dma_wait3A_92 = tpu.memref_slice %arg16[%add3A_14, %dma_wait3A] : memref<10240x128xf32, #tpu.memory_space<vmem_shared>> -> memref<128x128xf32, #tpu.memory_space<vmem_shared>>
      %dma_wait3A_93 = arith.constant 0 : i32
      %dma_wait3A_94 = tpu.memref_slice %arg16[%add3A_14, %dma_wait3A_93] : memref<10240x128xf32, #tpu.memory_space<vmem_shared>> -> memref<128x128xf32, #tpu.memory_space<vmem_shared>>
      tpu.wait_dma2 semaphore(%run_scoped3A : memref<!tpu.dma_semaphore, #tpu.memory_space<semaphore_mem>>) src(%arg15 : memref<128x128xf32, #tpu.memory_space<vmem>>) dst(%dma_wait3A_94 : memref<128x128xf32, #tpu.memory_space<vmem_shared>>)
      tpu.yield
    }) : () -> ()
    %add3A_15 = arith.constant 512 : i32
    %add3A_16 = arith.addi %mul3A_6, %add3A_15 : i32
    "tpu.region"() ({
      %run_scoped3A = tpu.sem_alloc : memref<!tpu.dma_semaphore, #tpu.memory_space<semaphore_mem>>
      %dma_start3A = arith.constant 0 : i32
      %dma_start3A_89 = tpu.memref_slice %arg16[%add3A_16, %dma_start3A] : memref<10240x128xf32, #tpu.memory_space<vmem_shared>> -> memref<128x128xf32, #tpu.memory_space<vmem_shared>>
      %dma_start3A_90 = arith.constant 0 : i32
      %dma_start3A_91 = tpu.memref_slice %arg16[%add3A_16, %dma_start3A_90] : memref<10240x128xf32, #tpu.memory_space<vmem_shared>> -> memref<128x128xf32, #tpu.memory_space<vmem_shared>>
      tpu.enqueue_dma source(%arg15 : memref<128x128xf32, #tpu.memory_space<vmem>>) target(%dma_start3A_91 : memref<128x128xf32, #tpu.memory_space<vmem_shared>>) target_semaphore(%run_scoped3A : memref<!tpu.dma_semaphore, #tpu.memory_space<semaphore_mem>>)
      %dma_wait3A = arith.constant 0 : i32
      %dma_wait3A_92 = tpu.memref_slice %arg16[%add3A_16, %dma_wait3A] : memref<10240x128xf32, #tpu.memory_space<vmem_shared>> -> memref<128x128xf32, #tpu.memory_space<vmem_shared>>
      %dma_wait3A_93 = arith.constant 0 : i32
      %dma_wait3A_94 = tpu.memref_slice %arg16[%add3A_16, %dma_wait3A_93] : memref<10240x128xf32, #tpu.memory_space<vmem_shared>> -> memref<128x128xf32, #tpu.memory_space<vmem_shared>>
      tpu.wait_dma2 semaphore(%run_scoped3A : memref<!tpu.dma_semaphore, #tpu.memory_space<semaphore_mem>>) src(%arg15 : memref<128x128xf32, #tpu.memory_space<vmem>>) dst(%dma_wait3A_94 : memref<128x128xf32, #tpu.memory_space<vmem_shared>>)
      tpu.yield
    }) : () -> ()
    %barrier3A = arith.constant 0 : index
    tpu.barrier barrier_id(%barrier3A)
    %scan3A = arith.constant 0 : i32
    %scan3A_17 = arith.constant 0 : i32
    %scan3A_18 = arith.constant 79 : i32
    %scan3A_19 = arith.addi %scan3A_17, %scan3A_18 : i32
    %scan3A_20 = arith.constant 1 : i32
    scf.for %scan3A_89 = %scan3A_17 to %scan3A_19 step %scan3A_20  : i32 {
      %mul3A_90 = arith.constant 128 : i32
      %mul3A_91 = arith.muli %scan3A_89, %mul3A_90 : i32
      %add3A_92 = arith.addi %mul3A_4, %mul3A_91 : i32
      "tpu.region"() ({
        %run_scoped3A = tpu.sem_alloc : memref<!tpu.dma_semaphore, #tpu.memory_space<semaphore_mem>>
        %dma_start3A_100 = tpu.memref_slice %arg5[%add3A_92] : memref<323584xi32, #tpu.memory_space<hbm>> -> memref<128xi32, #tpu.memory_space<hbm>>
        %dma_start3A_101 = tpu.memref_slice %arg5[%add3A_92] : memref<323584xi32, #tpu.memory_space<hbm>> -> memref<128xi32, #tpu.memory_space<hbm>>
        tpu.enqueue_dma source(%dma_start3A_101 : memref<128xi32, #tpu.memory_space<hbm>>) target(%arg13 : memref<128xi32, #tpu.memory_space<vmem>>) target_semaphore(%run_scoped3A : memref<!tpu.dma_semaphore, #tpu.memory_space<semaphore_mem>>)
        %dma_wait3A_102 = tpu.memref_slice %arg5[%add3A_92] : memref<323584xi32, #tpu.memory_space<hbm>> -> memref<128xi32, #tpu.memory_space<hbm>>
        %dma_wait3A_103 = tpu.memref_slice %arg5[%add3A_92] : memref<323584xi32, #tpu.memory_space<hbm>> -> memref<128xi32, #tpu.memory_space<hbm>>
        tpu.wait_dma2 semaphore(%run_scoped3A : memref<!tpu.dma_semaphore, #tpu.memory_space<semaphore_mem>>) src(%dma_wait3A_103 : memref<128xi32, #tpu.memory_space<hbm>>) dst(%arg13 : memref<128xi32, #tpu.memory_space<vmem>>)
        tpu.yield
      }) : () -> ()
      %dma_start3A = arith.constant 0 : i32
      %dma_start3A_93 = arith.constant 0 : i32
      %dma_start3A_94 = tpu.memref_slice %arg2[%dma_start3A, %dma_start3A_93] : memref<10000x128xf32, #tpu.memory_space<hbm>> -> memref<10000x128xf32, #tpu.memory_space<hbm>>
      tpu.enqueue_indirect_dma source(%dma_start3A_94 : memref<10000x128xf32, #tpu.memory_space<hbm>>) target(%arg15 : memref<128x128xf32, #tpu.memory_space<vmem>>) offsets(%arg13 : memref<128xi32, #tpu.memory_space<vmem>>) semaphore(%arg17 : memref<!tpu.dma_semaphore, #tpu.memory_space<semaphore_mem>>)
      %dma_wait3A = arith.constant 0 : i32
      %dma_wait3A_95 = arith.constant 0 : i32
      %dma_wait3A_96 = tpu.memref_slice %arg2[%dma_wait3A, %dma_wait3A_95] : memref<10000x128xf32, #tpu.memory_space<hbm>> -> memref<10000x128xf32, #tpu.memory_space<hbm>>
      tpu.wait_indirect_dma semaphore(%arg17 : memref<!tpu.dma_semaphore, #tpu.memory_space<semaphore_mem>>) src(%dma_wait3A_96 : memref<10000x128xf32, #tpu.memory_space<hbm>>) dst(%arg15 : memref<128x128xf32, #tpu.memory_space<vmem>>)
      %mul3A_97 = arith.constant 128 : i32
      %mul3A_98 = arith.muli %scan3A_89, %mul3A_97 : i32
      %add3A_99 = arith.addi %mul3A_4, %mul3A_98 : i32
      "tpu.region"() ({
        %run_scoped3A = tpu.sem_alloc : memref<!tpu.dma_semaphore, #tpu.memory_space<semaphore_mem>>
        %dma_start3A_100 = tpu.memref_slice %arg8[%add3A_99] : memref<323584xi32, #tpu.memory_space<hbm>> -> memref<128xi32, #tpu.memory_space<hbm>>
        %dma_start3A_101 = tpu.memref_slice %arg8[%add3A_99] : memref<323584xi32, #tpu.memory_space<hbm>> -> memref<128xi32, #tpu.memory_space<hbm>>
        tpu.enqueue_dma source(%dma_start3A_101 : memref<128xi32, #tpu.memory_space<hbm>>) target(%arg14 : memref<128xi32, #tpu.memory_space<vmem>>) target_semaphore(%run_scoped3A : memref<!tpu.dma_semaphore, #tpu.memory_space<semaphore_mem>>)
        %dma_wait3A_102 = tpu.memref_slice %arg8[%add3A_99] : memref<323584xi32, #tpu.memory_space<hbm>> -> memref<128xi32, #tpu.memory_space<hbm>>
        %dma_wait3A_103 = tpu.memref_slice %arg8[%add3A_99] : memref<323584xi32, #tpu.memory_space<hbm>> -> memref<128xi32, #tpu.memory_space<hbm>>
        tpu.wait_dma2 semaphore(%run_scoped3A : memref<!tpu.dma_semaphore, #tpu.memory_space<semaphore_mem>>) src(%dma_wait3A_103 : memref<128xi32, #tpu.memory_space<hbm>>) dst(%arg14 : memref<128xi32, #tpu.memory_space<vmem>>)
        tpu.yield
      }) : () -> ()
      "tpu.region"() ({
        %run_scoped3A = tpu.sem_alloc : memref<!tpu.dma_semaphore, #tpu.memory_space<semaphore_mem>>
        %dma_start3A_100 = arith.constant 0 : i32
        %dma_start3A_101 = arith.constant 0 : i32
        %dma_start3A_102 = tpu.memref_slice %arg16[%dma_start3A_100, %dma_start3A_101] : memref<10240x128xf32, #tpu.memory_space<vmem_shared>> -> memref<10240x128xf32, #tpu.memory_space<vmem_shared>>
        tpu.enqueue_indirect_dma source(%arg15 : memref<128x128xf32, #tpu.memory_space<vmem>>) target(%dma_start3A_102 : memref<10240x128xf32, #tpu.memory_space<vmem_shared>>) offsets(%arg14 : memref<128xi32, #tpu.memory_space<vmem>>) semaphore(%run_scoped3A : memref<!tpu.dma_semaphore, #tpu.memory_space<semaphore_mem>>) {add = true}
        %dma_wait3A_103 = arith.constant 0 : i32
        %dma_wait3A_104 = arith.constant 0 : i32
        %dma_wait3A_105 = tpu.memref_slice %arg16[%dma_wait3A_103, %dma_wait3A_104] : memref<10240x128xf32, #tpu.memory_space<vmem_shared>> -> memref<10240x128xf32, #tpu.memory_space<vmem_shared>>
        tpu.wait_indirect_dma semaphore(%run_scoped3A : memref<!tpu.dma_semaphore, #tpu.memory_space<semaphore_mem>>) src(%arg15 : memref<128x128xf32, #tpu.memory_space<vmem>>) dst(%dma_wait3A_105 : memref<10240x128xf32, #tpu.memory_space<vmem_shared>>)
        tpu.yield
      }) : () -> ()
    }
    %scan3A_21 = arith.constant 79 : i32
    %barrier3A_22 = arith.constant 0 : index
    tpu.barrier barrier_id(%barrier3A_22)
    %add3A_23 = arith.constant 0 : i32
    %add3A_24 = arith.addi %add3A_23, %arg0 : i32
    %mul3A_25 = arith.constant 10000 : i32
    %mul3A_26 = arith.muli %add3A_24, %mul3A_25 : i32
    %add3A_27 = arith.addi %mul3A_26, %mul3A_6 : i32
    "tpu.region"() ({
      %run_scoped3A = tpu.sem_alloc : memref<!tpu.dma_semaphore, #tpu.memory_space<semaphore_mem>>
      %dma_start3A = arith.constant 0 : i32
      %dma_start3A_89 = tpu.memref_slice %arg12[%add3A_27, %dma_start3A] : memref<60000x128xf32, #tpu.memory_space<hbm>> -> memref<400x128xf32, #tpu.memory_space<hbm>>
      %dma_start3A_90 = arith.constant 0 : i32
      %dma_start3A_91 = tpu.memref_slice %arg16[%mul3A_6, %dma_start3A_90] : memref<10240x128xf32, #tpu.memory_space<vmem_shared>> -> memref<400x128xf32, #tpu.memory_space<vmem_shared>>
      tpu.enqueue_dma source(%dma_start3A_91 : memref<400x128xf32, #tpu.memory_space<vmem_shared>>) target(%dma_start3A_89 : memref<400x128xf32, #tpu.memory_space<hbm>>) target_semaphore(%run_scoped3A : memref<!tpu.dma_semaphore, #tpu.memory_space<semaphore_mem>>)
      %dma_wait3A = arith.constant 0 : i32
      %dma_wait3A_92 = tpu.memref_slice %arg12[%add3A_27, %dma_wait3A] : memref<60000x128xf32, #tpu.memory_space<hbm>> -> memref<400x128xf32, #tpu.memory_space<hbm>>
      %dma_wait3A_93 = arith.constant 0 : i32
      %dma_wait3A_94 = tpu.memref_slice %arg16[%mul3A_6, %dma_wait3A_93] : memref<10240x128xf32, #tpu.memory_space<vmem_shared>> -> memref<400x128xf32, #tpu.memory_space<vmem_shared>>
      tpu.wait_dma2 semaphore(%run_scoped3A : memref<!tpu.dma_semaphore, #tpu.memory_space<semaphore_mem>>) src(%dma_wait3A_94 : memref<400x128xf32, #tpu.memory_space<vmem_shared>>) dst(%dma_wait3A_92 : memref<400x128xf32, #tpu.memory_space<hbm>>)
      tpu.yield
    }) : () -> ()
    %lt3A = arith.constant 15 : i32
    %lt3A_28 = arith.cmpi slt, %arg1, %lt3A : i32
    %convert_element_type3A = arith.extui %lt3A_28 : i1 to i32
    %cond3A = arith.constant 0 : i32
    %cond3A_29 = arith.cmpi ne, %convert_element_type3A, %cond3A : i32
    scf.if %cond3A_29 {
      %add3A_89 = arith.constant 400 : i32
      %add3A_90 = arith.addi %mul3A_6, %add3A_89 : i32
      %add3A_91 = arith.constant 400 : i32
      %add3A_92 = arith.addi %add3A_27, %add3A_91 : i32
      "tpu.region"() ({
        %run_scoped3A = tpu.sem_alloc : memref<!tpu.dma_semaphore, #tpu.memory_space<semaphore_mem>>
        %dma_start3A = arith.constant 0 : i32
        %dma_start3A_93 = tpu.memref_slice %arg12[%add3A_92, %dma_start3A] : memref<60000x128xf32, #tpu.memory_space<hbm>> -> memref<240x128xf32, #tpu.memory_space<hbm>>
        %dma_start3A_94 = arith.constant 0 : i32
        %dma_start3A_95 = tpu.memref_slice %arg16[%add3A_90, %dma_start3A_94] : memref<10240x128xf32, #tpu.memory_space<vmem_shared>> -> memref<240x128xf32, #tpu.memory_space<vmem_shared>>
        tpu.enqueue_dma source(%dma_start3A_95 : memref<240x128xf32, #tpu.memory_space<vmem_shared>>) target(%dma_start3A_93 : memref<240x128xf32, #tpu.memory_space<hbm>>) target_semaphore(%run_scoped3A : memref<!tpu.dma_semaphore, #tpu.memory_space<semaphore_mem>>)
        %dma_wait3A = arith.constant 0 : i32
        %dma_wait3A_96 = tpu.memref_slice %arg12[%add3A_92, %dma_wait3A] : memref<60000x128xf32, #tpu.memory_space<hbm>> -> memref<240x128xf32, #tpu.memory_space<hbm>>
        %dma_wait3A_97 = arith.constant 0 : i32
        %dma_wait3A_98 = tpu.memref_slice %arg16[%add3A_90, %dma_wait3A_97] : memref<10240x128xf32, #tpu.memory_space<vmem_shared>> -> memref<240x128xf32, #tpu.memory_space<vmem_shared>>
        tpu.wait_dma2 semaphore(%run_scoped3A : memref<!tpu.dma_semaphore, #tpu.memory_space<semaphore_mem>>) src(%dma_wait3A_98 : memref<240x128xf32, #tpu.memory_space<vmem_shared>>) dst(%dma_wait3A_96 : memref<240x128xf32, #tpu.memory_space<hbm>>)
        tpu.yield
      }) : () -> ()
    } else {
    }
    %barrier3A_30 = arith.constant 0 : index
    tpu.barrier barrier_id(%barrier3A_30)
    "tpu.region"() ({
      %run_scoped3A = tpu.sem_alloc : memref<!tpu.dma_semaphore, #tpu.memory_space<semaphore_mem>>
      tpu.enqueue_dma source(%arg11 : memref<128x128xf32, #tpu.memory_space<hbm>>) target(%arg15 : memref<128x128xf32, #tpu.memory_space<vmem>>) target_semaphore(%run_scoped3A : memref<!tpu.dma_semaphore, #tpu.memory_space<semaphore_mem>>)
      tpu.wait_dma2 semaphore(%run_scoped3A : memref<!tpu.dma_semaphore, #tpu.memory_space<semaphore_mem>>) src(%arg11 : memref<128x128xf32, #tpu.memory_space<hbm>>) dst(%arg15 : memref<128x128xf32, #tpu.memory_space<vmem>>)
      tpu.yield
    }) : () -> ()
    %add3A_31 = arith.constant 0 : i32
    %add3A_32 = arith.addi %mul3A_6, %add3A_31 : i32
    "tpu.region"() ({
      %run_scoped3A = tpu.sem_alloc : memref<!tpu.dma_semaphore, #tpu.memory_space<semaphore_mem>>
      %dma_start3A = arith.constant 0 : i32
      %dma_start3A_89 = tpu.memref_slice %arg16[%add3A_32, %dma_start3A] : memref<10240x128xf32, #tpu.memory_space<vmem_shared>> -> memref<128x128xf32, #tpu.memory_space<vmem_shared>>
      %dma_start3A_90 = arith.constant 0 : i32
      %dma_start3A_91 = tpu.memref_slice %arg16[%add3A_32, %dma_start3A_90] : memref<10240x128xf32, #tpu.memory_space<vmem_shared>> -> memref<128x128xf32, #tpu.memory_space<vmem_shared>>
      tpu.enqueue_dma source(%arg15 : memref<128x128xf32, #tpu.memory_space<vmem>>) target(%dma_start3A_91 : memref<128x128xf32, #tpu.memory_space<vmem_shared>>) target_semaphore(%run_scoped3A : memref<!tpu.dma_semaphore, #tpu.memory_space<semaphore_mem>>)
      %dma_wait3A = arith.constant 0 : i32
      %dma_wait3A_92 = tpu.memref_slice %arg16[%add3A_32, %dma_wait3A] : memref<10240x128xf32, #tpu.memory_space<vmem_shared>> -> memref<128x128xf32, #tpu.memory_space<vmem_shared>>
      %dma_wait3A_93 = arith.constant 0 : i32
      %dma_wait3A_94 = tpu.memref_slice %arg16[%add3A_32, %dma_wait3A_93] : memref<10240x128xf32, #tpu.memory_space<vmem_shared>> -> memref<128x128xf32, #tpu.memory_space<vmem_shared>>
      tpu.wait_dma2 semaphore(%run_scoped3A : memref<!tpu.dma_semaphore, #tpu.memory_space<semaphore_mem>>) src(%arg15 : memref<128x128xf32, #tpu.memory_space<vmem>>) dst(%dma_wait3A_94 : memref<128x128xf32, #tpu.memory_space<vmem_shared>>)
      tpu.yield
    }) : () -> ()
    %add3A_33 = arith.constant 128 : i32
    %add3A_34 = arith.addi %mul3A_6, %add3A_33 : i32
    "tpu.region"() ({
      %run_scoped3A = tpu.sem_alloc : memref<!tpu.dma_semaphore, #tpu.memory_space<semaphore_mem>>
      %dma_start3A = arith.constant 0 : i32
      %dma_start3A_89 = tpu.memref_slice %arg16[%add3A_34, %dma_start3A] : memref<10240x128xf32, #tpu.memory_space<vmem_shared>> -> memref<128x128xf32, #tpu.memory_space<vmem_shared>>
      %dma_start3A_90 = arith.constant 0 : i32
      %dma_start3A_91 = tpu.memref_slice %arg16[%add3A_34, %dma_start3A_90] : memref<10240x128xf32, #tpu.memory_space<vmem_shared>> -> memref<128x128xf32, #tpu.memory_space<vmem_shared>>
      tpu.enqueue_dma source(%arg15 : memref<128x128xf32, #tpu.memory_space<vmem>>) target(%dma_start3A_91 : memref<128x128xf32, #tpu.memory_space<vmem_shared>>) target_semaphore(%run_scoped3A : memref<!tpu.dma_semaphore, #tpu.memory_space<semaphore_mem>>)
      %dma_wait3A = arith.constant 0 : i32
      %dma_wait3A_92 = tpu.memref_slice %arg16[%add3A_34, %dma_wait3A] : memref<10240x128xf32, #tpu.memory_space<vmem_shared>> -> memref<128x128xf32, #tpu.memory_space<vmem_shared>>
      %dma_wait3A_93 = arith.constant 0 : i32
      %dma_wait3A_94 = tpu.memref_slice %arg16[%add3A_34, %dma_wait3A_93] : memref<10240x128xf32, #tpu.memory_space<vmem_shared>> -> memref<128x128xf32, #tpu.memory_space<vmem_shared>>
      tpu.wait_dma2 semaphore(%run_scoped3A : memref<!tpu.dma_semaphore, #tpu.memory_space<semaphore_mem>>) src(%arg15 : memref<128x128xf32, #tpu.memory_space<vmem>>) dst(%dma_wait3A_94 : memref<128x128xf32, #tpu.memory_space<vmem_shared>>)
      tpu.yield
    }) : () -> ()
    %add3A_35 = arith.constant 256 : i32
    %add3A_36 = arith.addi %mul3A_6, %add3A_35 : i32
    "tpu.region"() ({
      %run_scoped3A = tpu.sem_alloc : memref<!tpu.dma_semaphore, #tpu.memory_space<semaphore_mem>>
      %dma_start3A = arith.constant 0 : i32
      %dma_start3A_89 = tpu.memref_slice %arg16[%add3A_36, %dma_start3A] : memref<10240x128xf32, #tpu.memory_space<vmem_shared>> -> memref<128x128xf32, #tpu.memory_space<vmem_shared>>
      %dma_start3A_90 = arith.constant 0 : i32
      %dma_start3A_91 = tpu.memref_slice %arg16[%add3A_36, %dma_start3A_90] : memref<10240x128xf32, #tpu.memory_space<vmem_shared>> -> memref<128x128xf32, #tpu.memory_space<vmem_shared>>
      tpu.enqueue_dma source(%arg15 : memref<128x128xf32, #tpu.memory_space<vmem>>) target(%dma_start3A_91 : memref<128x128xf32, #tpu.memory_space<vmem_shared>>) target_semaphore(%run_scoped3A : memref<!tpu.dma_semaphore, #tpu.memory_space<semaphore_mem>>)
      %dma_wait3A = arith.constant 0 : i32
      %dma_wait3A_92 = tpu.memref_slice %arg16[%add3A_36, %dma_wait3A] : memref<10240x128xf32, #tpu.memory_space<vmem_shared>> -> memref<128x128xf32, #tpu.memory_space<vmem_shared>>
      %dma_wait3A_93 = arith.constant 0 : i32
      %dma_wait3A_94 = tpu.memref_slice %arg16[%add3A_36, %dma_wait3A_93] : memref<10240x128xf32, #tpu.memory_space<vmem_shared>> -> memref<128x128xf32, #tpu.memory_space<vmem_shared>>
      tpu.wait_dma2 semaphore(%run_scoped3A : memref<!tpu.dma_semaphore, #tpu.memory_space<semaphore_mem>>) src(%arg15 : memref<128x128xf32, #tpu.memory_space<vmem>>) dst(%dma_wait3A_94 : memref<128x128xf32, #tpu.memory_space<vmem_shared>>)
      tpu.yield
    }) : () -> ()
    %add3A_37 = arith.constant 384 : i32
    %add3A_38 = arith.addi %mul3A_6, %add3A_37 : i32
    "tpu.region"() ({
      %run_scoped3A = tpu.sem_alloc : memref<!tpu.dma_semaphore, #tpu.memory_space<semaphore_mem>>
      %dma_start3A = arith.constant 0 : i32
      %dma_start3A_89 = tpu.memref_slice %arg16[%add3A_38, %dma_start3A] : memref<10240x128xf32, #tpu.memory_space<vmem_shared>> -> memref<128x128xf32, #tpu.memory_space<vmem_shared>>
      %dma_start3A_90 = arith.constant 0 : i32
      %dma_start3A_91 = tpu.memref_slice %arg16[%add3A_38, %dma_start3A_90] : memref<10240x128xf32, #tpu.memory_space<vmem_shared>> -> memref<128x128xf32, #tpu.memory_space<vmem_shared>>
      tpu.enqueue_dma source(%arg15 : memref<128x128xf32, #tpu.memory_space<vmem>>) target(%dma_start3A_91 : memref<128x128xf32, #tpu.memory_space<vmem_shared>>) target_semaphore(%run_scoped3A : memref<!tpu.dma_semaphore, #tpu.memory_space<semaphore_mem>>)
      %dma_wait3A = arith.constant 0 : i32
      %dma_wait3A_92 = tpu.memref_slice %arg16[%add3A_38, %dma_wait3A] : memref<10240x128xf32, #tpu.memory_space<vmem_shared>> -> memref<128x128xf32, #tpu.memory_space<vmem_shared>>
      %dma_wait3A_93 = arith.constant 0 : i32
      %dma_wait3A_94 = tpu.memref_slice %arg16[%add3A_38, %dma_wait3A_93] : memref<10240x128xf32, #tpu.memory_space<vmem_shared>> -> memref<128x128xf32, #tpu.memory_space<vmem_shared>>
      tpu.wait_dma2 semaphore(%run_scoped3A : memref<!tpu.dma_semaphore, #tpu.memory_space<semaphore_mem>>) src(%arg15 : memref<128x128xf32, #tpu.memory_space<vmem>>) dst(%dma_wait3A_94 : memref<128x128xf32, #tpu.memory_space<vmem_shared>>)
      tpu.yield
    }) : () -> ()
    %add3A_39 = arith.constant 512 : i32
    %add3A_40 = arith.addi %mul3A_6, %add3A_39 : i32
    "tpu.region"() ({
      %run_scoped3A = tpu.sem_alloc : memref<!tpu.dma_semaphore, #tpu.memory_space<semaphore_mem>>
      %dma_start3A = arith.constant 0 : i32
      %dma_start3A_89 = tpu.memref_slice %arg16[%add3A_40, %dma_start3A] : memref<10240x128xf32, #tpu.memory_space<vmem_shared>> -> memref<128x128xf32, #tpu.memory_space<vmem_shared>>
      %dma_start3A_90 = arith.constant 0 : i32
      %dma_start3A_91 = tpu.memref_slice %arg16[%add3A_40, %dma_start3A_90] : memref<10240x128xf32, #tpu.memory_space<vmem_shared>> -> memref<128x128xf32, #tpu.memory_space<vmem_shared>>
      tpu.enqueue_dma source(%arg15 : memref<128x128xf32, #tpu.memory_space<vmem>>) target(%dma_start3A_91 : memref<128x128xf32, #tpu.memory_space<vmem_shared>>) target_semaphore(%run_scoped3A : memref<!tpu.dma_semaphore, #tpu.memory_space<semaphore_mem>>)
      %dma_wait3A = arith.constant 0 : i32
      %dma_wait3A_92 = tpu.memref_slice %arg16[%add3A_40, %dma_wait3A] : memref<10240x128xf32, #tpu.memory_space<vmem_shared>> -> memref<128x128xf32, #tpu.memory_space<vmem_shared>>
      %dma_wait3A_93 = arith.constant 0 : i32
      %dma_wait3A_94 = tpu.memref_slice %arg16[%add3A_40, %dma_wait3A_93] : memref<10240x128xf32, #tpu.memory_space<vmem_shared>> -> memref<128x128xf32, #tpu.memory_space<vmem_shared>>
      tpu.wait_dma2 semaphore(%run_scoped3A : memref<!tpu.dma_semaphore, #tpu.memory_space<semaphore_mem>>) src(%arg15 : memref<128x128xf32, #tpu.memory_space<vmem>>) dst(%dma_wait3A_94 : memref<128x128xf32, #tpu.memory_space<vmem_shared>>)
      tpu.yield
    }) : () -> ()
    %barrier3A_41 = arith.constant 0 : index
    tpu.barrier barrier_id(%barrier3A_41)
    %scan3A_42 = arith.constant 0 : i32
    %scan3A_43 = arith.constant 0 : i32
    %scan3A_44 = arith.constant 79 : i32
    %scan3A_45 = arith.addi %scan3A_43, %scan3A_44 : i32
    %scan3A_46 = arith.constant 1 : i32
    scf.for %scan3A_89 = %scan3A_43 to %scan3A_45 step %scan3A_46  : i32 {
      %mul3A_90 = arith.constant 128 : i32
      %mul3A_91 = arith.muli %scan3A_89, %mul3A_90 : i32
      %add3A_92 = arith.addi %mul3A_4, %mul3A_91 : i32
      "tpu.region"() ({
        %run_scoped3A = tpu.sem_alloc : memref<!tpu.dma_semaphore, #tpu.memory_space<semaphore_mem>>
        %dma_start3A_100 = tpu.memref_slice %arg6[%add3A_92] : memref<323584xi32, #tpu.memory_space<hbm>> -> memref<128xi32, #tpu.memory_space<hbm>>
        %dma_start3A_101 = tpu.memref_slice %arg6[%add3A_92] : memref<323584xi32, #tpu.memory_space<hbm>> -> memref<128xi32, #tpu.memory_space<hbm>>
        tpu.enqueue_dma source(%dma_start3A_101 : memref<128xi32, #tpu.memory_space<hbm>>) target(%arg13 : memref<128xi32, #tpu.memory_space<vmem>>) target_semaphore(%run_scoped3A : memref<!tpu.dma_semaphore, #tpu.memory_space<semaphore_mem>>)
        %dma_wait3A_102 = tpu.memref_slice %arg6[%add3A_92] : memref<323584xi32, #tpu.memory_space<hbm>> -> memref<128xi32, #tpu.memory_space<hbm>>
        %dma_wait3A_103 = tpu.memref_slice %arg6[%add3A_92] : memref<323584xi32, #tpu.memory_space<hbm>> -> memref<128xi32, #tpu.memory_space<hbm>>
        tpu.wait_dma2 semaphore(%run_scoped3A : memref<!tpu.dma_semaphore, #tpu.memory_space<semaphore_mem>>) src(%dma_wait3A_103 : memref<128xi32, #tpu.memory_space<hbm>>) dst(%arg13 : memref<128xi32, #tpu.memory_space<vmem>>)
        tpu.yield
      }) : () -> ()
      %dma_start3A = arith.constant 0 : i32
      %dma_start3A_93 = arith.constant 0 : i32
      %dma_start3A_94 = tpu.memref_slice %arg3[%dma_start3A, %dma_start3A_93] : memref<10000x128xf32, #tpu.memory_space<hbm>> -> memref<10000x128xf32, #tpu.memory_space<hbm>>
      tpu.enqueue_indirect_dma source(%dma_start3A_94 : memref<10000x128xf32, #tpu.memory_space<hbm>>) target(%arg15 : memref<128x128xf32, #tpu.memory_space<vmem>>) offsets(%arg13 : memref<128xi32, #tpu.memory_space<vmem>>) semaphore(%arg17 : memref<!tpu.dma_semaphore, #tpu.memory_space<semaphore_mem>>)
      %dma_wait3A = arith.constant 0 : i32
      %dma_wait3A_95 = arith.constant 0 : i32
      %dma_wait3A_96 = tpu.memref_slice %arg3[%dma_wait3A, %dma_wait3A_95] : memref<10000x128xf32, #tpu.memory_space<hbm>> -> memref<10000x128xf32, #tpu.memory_space<hbm>>
      tpu.wait_indirect_dma semaphore(%arg17 : memref<!tpu.dma_semaphore, #tpu.memory_space<semaphore_mem>>) src(%dma_wait3A_96 : memref<10000x128xf32, #tpu.memory_space<hbm>>) dst(%arg15 : memref<128x128xf32, #tpu.memory_space<vmem>>)
      %mul3A_97 = arith.constant 128 : i32
      %mul3A_98 = arith.muli %scan3A_89, %mul3A_97 : i32
      %add3A_99 = arith.addi %mul3A_4, %mul3A_98 : i32
      "tpu.region"() ({
        %run_scoped3A = tpu.sem_alloc : memref<!tpu.dma_semaphore, #tpu.memory_space<semaphore_mem>>
        %dma_start3A_100 = tpu.memref_slice %arg9[%add3A_99] : memref<323584xi32, #tpu.memory_space<hbm>> -> memref<128xi32, #tpu.memory_space<hbm>>
        %dma_start3A_101 = tpu.memref_slice %arg9[%add3A_99] : memref<323584xi32, #tpu.memory_space<hbm>> -> memref<128xi32, #tpu.memory_space<hbm>>
        tpu.enqueue_dma source(%dma_start3A_101 : memref<128xi32, #tpu.memory_space<hbm>>) target(%arg14 : memref<128xi32, #tpu.memory_space<vmem>>) target_semaphore(%run_scoped3A : memref<!tpu.dma_semaphore, #tpu.memory_space<semaphore_mem>>)
        %dma_wait3A_102 = tpu.memref_slice %arg9[%add3A_99] : memref<323584xi32, #tpu.memory_space<hbm>> -> memref<128xi32, #tpu.memory_space<hbm>>
        %dma_wait3A_103 = tpu.memref_slice %arg9[%add3A_99] : memref<323584xi32, #tpu.memory_space<hbm>> -> memref<128xi32, #tpu.memory_space<hbm>>
        tpu.wait_dma2 semaphore(%run_scoped3A : memref<!tpu.dma_semaphore, #tpu.memory_space<semaphore_mem>>) src(%dma_wait3A_103 : memref<128xi32, #tpu.memory_space<hbm>>) dst(%arg14 : memref<128xi32, #tpu.memory_space<vmem>>)
        tpu.yield
      }) : () -> ()
      "tpu.region"() ({
        %run_scoped3A = tpu.sem_alloc : memref<!tpu.dma_semaphore, #tpu.memory_space<semaphore_mem>>
        %dma_start3A_100 = arith.constant 0 : i32
        %dma_start3A_101 = arith.constant 0 : i32
        %dma_start3A_102 = tpu.memref_slice %arg16[%dma_start3A_100, %dma_start3A_101] : memref<10240x128xf32, #tpu.memory_space<vmem_shared>> -> memref<10240x128xf32, #tpu.memory_space<vmem_shared>>
        tpu.enqueue_indirect_dma source(%arg15 : memref<128x128xf32, #tpu.memory_space<vmem>>) target(%dma_start3A_102 : memref<10240x128xf32, #tpu.memory_space<vmem_shared>>) offsets(%arg14 : memref<128xi32, #tpu.memory_space<vmem>>) semaphore(%run_scoped3A : memref<!tpu.dma_semaphore, #tpu.memory_space<semaphore_mem>>) {add = true}
        %dma_wait3A_103 = arith.constant 0 : i32
        %dma_wait3A_104 = arith.constant 0 : i32
        %dma_wait3A_105 = tpu.memref_slice %arg16[%dma_wait3A_103, %dma_wait3A_104] : memref<10240x128xf32, #tpu.memory_space<vmem_shared>> -> memref<10240x128xf32, #tpu.memory_space<vmem_shared>>
        tpu.wait_indirect_dma semaphore(%run_scoped3A : memref<!tpu.dma_semaphore, #tpu.memory_space<semaphore_mem>>) src(%arg15 : memref<128x128xf32, #tpu.memory_space<vmem>>) dst(%dma_wait3A_105 : memref<10240x128xf32, #tpu.memory_space<vmem_shared>>)
        tpu.yield
      }) : () -> ()
    }
    %scan3A_47 = arith.constant 79 : i32
    %barrier3A_48 = arith.constant 0 : index
    tpu.barrier barrier_id(%barrier3A_48)
    %add3A_49 = arith.constant 2 : i32
    %add3A_50 = arith.addi %add3A_49, %arg0 : i32
    %mul3A_51 = arith.constant 10000 : i32
    %mul3A_52 = arith.muli %add3A_50, %mul3A_51 : i32
    %add3A_53 = arith.addi %mul3A_52, %mul3A_6 : i32
    "tpu.region"() ({
      %run_scoped3A = tpu.sem_alloc : memref<!tpu.dma_semaphore, #tpu.memory_space<semaphore_mem>>
      %dma_start3A = arith.constant 0 : i32
      %dma_start3A_89 = tpu.memref_slice %arg12[%add3A_53, %dma_start3A] : memref<60000x128xf32, #tpu.memory_space<hbm>> -> memref<400x128xf32, #tpu.memory_space<hbm>>
      %dma_start3A_90 = arith.constant 0 : i32
      %dma_start3A_91 = tpu.memref_slice %arg16[%mul3A_6, %dma_start3A_90] : memref<10240x128xf32, #tpu.memory_space<vmem_shared>> -> memref<400x128xf32, #tpu.memory_space<vmem_shared>>
      tpu.enqueue_dma source(%dma_start3A_91 : memref<400x128xf32, #tpu.memory_space<vmem_shared>>) target(%dma_start3A_89 : memref<400x128xf32, #tpu.memory_space<hbm>>) target_semaphore(%run_scoped3A : memref<!tpu.dma_semaphore, #tpu.memory_space<semaphore_mem>>)
      %dma_wait3A = arith.constant 0 : i32
      %dma_wait3A_92 = tpu.memref_slice %arg12[%add3A_53, %dma_wait3A] : memref<60000x128xf32, #tpu.memory_space<hbm>> -> memref<400x128xf32, #tpu.memory_space<hbm>>
      %dma_wait3A_93 = arith.constant 0 : i32
      %dma_wait3A_94 = tpu.memref_slice %arg16[%mul3A_6, %dma_wait3A_93] : memref<10240x128xf32, #tpu.memory_space<vmem_shared>> -> memref<400x128xf32, #tpu.memory_space<vmem_shared>>
      tpu.wait_dma2 semaphore(%run_scoped3A : memref<!tpu.dma_semaphore, #tpu.memory_space<semaphore_mem>>) src(%dma_wait3A_94 : memref<400x128xf32, #tpu.memory_space<vmem_shared>>) dst(%dma_wait3A_92 : memref<400x128xf32, #tpu.memory_space<hbm>>)
      tpu.yield
    }) : () -> ()
    %lt3A_54 = arith.constant 15 : i32
    %lt3A_55 = arith.cmpi slt, %arg1, %lt3A_54 : i32
    %convert_element_type3A_56 = arith.extui %lt3A_55 : i1 to i32
    %cond3A_57 = arith.constant 0 : i32
    %cond3A_58 = arith.cmpi ne, %convert_element_type3A_56, %cond3A_57 : i32
    scf.if %cond3A_58 {
      %add3A_89 = arith.constant 400 : i32
      %add3A_90 = arith.addi %mul3A_6, %add3A_89 : i32
      %add3A_91 = arith.constant 400 : i32
      %add3A_92 = arith.addi %add3A_53, %add3A_91 : i32
      "tpu.region"() ({
        %run_scoped3A = tpu.sem_alloc : memref<!tpu.dma_semaphore, #tpu.memory_space<semaphore_mem>>
        %dma_start3A = arith.constant 0 : i32
        %dma_start3A_93 = tpu.memref_slice %arg12[%add3A_92, %dma_start3A] : memref<60000x128xf32, #tpu.memory_space<hbm>> -> memref<240x128xf32, #tpu.memory_space<hbm>>
        %dma_start3A_94 = arith.constant 0 : i32
        %dma_start3A_95 = tpu.memref_slice %arg16[%add3A_90, %dma_start3A_94] : memref<10240x128xf32, #tpu.memory_space<vmem_shared>> -> memref<240x128xf32, #tpu.memory_space<vmem_shared>>
        tpu.enqueue_dma source(%dma_start3A_95 : memref<240x128xf32, #tpu.memory_space<vmem_shared>>) target(%dma_start3A_93 : memref<240x128xf32, #tpu.memory_space<hbm>>) target_semaphore(%run_scoped3A : memref<!tpu.dma_semaphore, #tpu.memory_space<semaphore_mem>>)
        %dma_wait3A = arith.constant 0 : i32
        %dma_wait3A_96 = tpu.memref_slice %arg12[%add3A_92, %dma_wait3A] : memref<60000x128xf32, #tpu.memory_space<hbm>> -> memref<240x128xf32, #tpu.memory_space<hbm>>
        %dma_wait3A_97 = arith.constant 0 : i32
        %dma_wait3A_98 = tpu.memref_slice %arg16[%add3A_90, %dma_wait3A_97] : memref<10240x128xf32, #tpu.memory_space<vmem_shared>> -> memref<240x128xf32, #tpu.memory_space<vmem_shared>>
        tpu.wait_dma2 semaphore(%run_scoped3A : memref<!tpu.dma_semaphore, #tpu.memory_space<semaphore_mem>>) src(%dma_wait3A_98 : memref<240x128xf32, #tpu.memory_space<vmem_shared>>) dst(%dma_wait3A_96 : memref<240x128xf32, #tpu.memory_space<hbm>>)
        tpu.yield
      }) : () -> ()
    } else {
    }
    %barrier3A_59 = arith.constant 0 : index
    tpu.barrier barrier_id(%barrier3A_59)
    "tpu.region"() ({
      %run_scoped3A = tpu.sem_alloc : memref<!tpu.dma_semaphore, #tpu.memory_space<semaphore_mem>>
      tpu.enqueue_dma source(%arg11 : memref<128x128xf32, #tpu.memory_space<hbm>>) target(%arg15 : memref<128x128xf32, #tpu.memory_space<vmem>>) target_semaphore(%run_scoped3A : memref<!tpu.dma_semaphore, #tpu.memory_space<semaphore_mem>>)
      tpu.wait_dma2 semaphore(%run_scoped3A : memref<!tpu.dma_semaphore, #tpu.memory_space<semaphore_mem>>) src(%arg11 : memref<128x128xf32, #tpu.memory_space<hbm>>) dst(%arg15 : memref<128x128xf32, #tpu.memory_space<vmem>>)
      tpu.yield
    }) : () -> ()
    %add3A_60 = arith.constant 0 : i32
    %add3A_61 = arith.addi %mul3A_6, %add3A_60 : i32
    "tpu.region"() ({
      %run_scoped3A = tpu.sem_alloc : memref<!tpu.dma_semaphore, #tpu.memory_space<semaphore_mem>>
      %dma_start3A = arith.constant 0 : i32
      %dma_start3A_89 = tpu.memref_slice %arg16[%add3A_61, %dma_start3A] : memref<10240x128xf32, #tpu.memory_space<vmem_shared>> -> memref<128x128xf32, #tpu.memory_space<vmem_shared>>
      %dma_start3A_90 = arith.constant 0 : i32
      %dma_start3A_91 = tpu.memref_slice %arg16[%add3A_61, %dma_start3A_90] : memref<10240x128xf32, #tpu.memory_space<vmem_shared>> -> memref<128x128xf32, #tpu.memory_space<vmem_shared>>
      tpu.enqueue_dma source(%arg15 : memref<128x128xf32, #tpu.memory_space<vmem>>) target(%dma_start3A_91 : memref<128x128xf32, #tpu.memory_space<vmem_shared>>) target_semaphore(%run_scoped3A : memref<!tpu.dma_semaphore, #tpu.memory_space<semaphore_mem>>)
      %dma_wait3A = arith.constant 0 : i32
      %dma_wait3A_92 = tpu.memref_slice %arg16[%add3A_61, %dma_wait3A] : memref<10240x128xf32, #tpu.memory_space<vmem_shared>> -> memref<128x128xf32, #tpu.memory_space<vmem_shared>>
      %dma_wait3A_93 = arith.constant 0 : i32
      %dma_wait3A_94 = tpu.memref_slice %arg16[%add3A_61, %dma_wait3A_93] : memref<10240x128xf32, #tpu.memory_space<vmem_shared>> -> memref<128x128xf32, #tpu.memory_space<vmem_shared>>
      tpu.wait_dma2 semaphore(%run_scoped3A : memref<!tpu.dma_semaphore, #tpu.memory_space<semaphore_mem>>) src(%arg15 : memref<128x128xf32, #tpu.memory_space<vmem>>) dst(%dma_wait3A_94 : memref<128x128xf32, #tpu.memory_space<vmem_shared>>)
      tpu.yield
    }) : () -> ()
    %add3A_62 = arith.constant 128 : i32
    %add3A_63 = arith.addi %mul3A_6, %add3A_62 : i32
    "tpu.region"() ({
      %run_scoped3A = tpu.sem_alloc : memref<!tpu.dma_semaphore, #tpu.memory_space<semaphore_mem>>
      %dma_start3A = arith.constant 0 : i32
      %dma_start3A_89 = tpu.memref_slice %arg16[%add3A_63, %dma_start3A] : memref<10240x128xf32, #tpu.memory_space<vmem_shared>> -> memref<128x128xf32, #tpu.memory_space<vmem_shared>>
      %dma_start3A_90 = arith.constant 0 : i32
      %dma_start3A_91 = tpu.memref_slice %arg16[%add3A_63, %dma_start3A_90] : memref<10240x128xf32, #tpu.memory_space<vmem_shared>> -> memref<128x128xf32, #tpu.memory_space<vmem_shared>>
      tpu.enqueue_dma source(%arg15 : memref<128x128xf32, #tpu.memory_space<vmem>>) target(%dma_start3A_91 : memref<128x128xf32, #tpu.memory_space<vmem_shared>>) target_semaphore(%run_scoped3A : memref<!tpu.dma_semaphore, #tpu.memory_space<semaphore_mem>>)
      %dma_wait3A = arith.constant 0 : i32
      %dma_wait3A_92 = tpu.memref_slice %arg16[%add3A_63, %dma_wait3A] : memref<10240x128xf32, #tpu.memory_space<vmem_shared>> -> memref<128x128xf32, #tpu.memory_space<vmem_shared>>
      %dma_wait3A_93 = arith.constant 0 : i32
      %dma_wait3A_94 = tpu.memref_slice %arg16[%add3A_63, %dma_wait3A_93] : memref<10240x128xf32, #tpu.memory_space<vmem_shared>> -> memref<128x128xf32, #tpu.memory_space<vmem_shared>>
      tpu.wait_dma2 semaphore(%run_scoped3A : memref<!tpu.dma_semaphore, #tpu.memory_space<semaphore_mem>>) src(%arg15 : memref<128x128xf32, #tpu.memory_space<vmem>>) dst(%dma_wait3A_94 : memref<128x128xf32, #tpu.memory_space<vmem_shared>>)
      tpu.yield
    }) : () -> ()
    %add3A_64 = arith.constant 256 : i32
    %add3A_65 = arith.addi %mul3A_6, %add3A_64 : i32
    "tpu.region"() ({
      %run_scoped3A = tpu.sem_alloc : memref<!tpu.dma_semaphore, #tpu.memory_space<semaphore_mem>>
      %dma_start3A = arith.constant 0 : i32
      %dma_start3A_89 = tpu.memref_slice %arg16[%add3A_65, %dma_start3A] : memref<10240x128xf32, #tpu.memory_space<vmem_shared>> -> memref<128x128xf32, #tpu.memory_space<vmem_shared>>
      %dma_start3A_90 = arith.constant 0 : i32
      %dma_start3A_91 = tpu.memref_slice %arg16[%add3A_65, %dma_start3A_90] : memref<10240x128xf32, #tpu.memory_space<vmem_shared>> -> memref<128x128xf32, #tpu.memory_space<vmem_shared>>
      tpu.enqueue_dma source(%arg15 : memref<128x128xf32, #tpu.memory_space<vmem>>) target(%dma_start3A_91 : memref<128x128xf32, #tpu.memory_space<vmem_shared>>) target_semaphore(%run_scoped3A : memref<!tpu.dma_semaphore, #tpu.memory_space<semaphore_mem>>)
      %dma_wait3A = arith.constant 0 : i32
      %dma_wait3A_92 = tpu.memref_slice %arg16[%add3A_65, %dma_wait3A] : memref<10240x128xf32, #tpu.memory_space<vmem_shared>> -> memref<128x128xf32, #tpu.memory_space<vmem_shared>>
      %dma_wait3A_93 = arith.constant 0 : i32
      %dma_wait3A_94 = tpu.memref_slice %arg16[%add3A_65, %dma_wait3A_93] : memref<10240x128xf32, #tpu.memory_space<vmem_shared>> -> memref<128x128xf32, #tpu.memory_space<vmem_shared>>
      tpu.wait_dma2 semaphore(%run_scoped3A : memref<!tpu.dma_semaphore, #tpu.memory_space<semaphore_mem>>) src(%arg15 : memref<128x128xf32, #tpu.memory_space<vmem>>) dst(%dma_wait3A_94 : memref<128x128xf32, #tpu.memory_space<vmem_shared>>)
      tpu.yield
    }) : () -> ()
    %add3A_66 = arith.constant 384 : i32
    %add3A_67 = arith.addi %mul3A_6, %add3A_66 : i32
    "tpu.region"() ({
      %run_scoped3A = tpu.sem_alloc : memref<!tpu.dma_semaphore, #tpu.memory_space<semaphore_mem>>
      %dma_start3A = arith.constant 0 : i32
      %dma_start3A_89 = tpu.memref_slice %arg16[%add3A_67, %dma_start3A] : memref<10240x128xf32, #tpu.memory_space<vmem_shared>> -> memref<128x128xf32, #tpu.memory_space<vmem_shared>>
      %dma_start3A_90 = arith.constant 0 : i32
      %dma_start3A_91 = tpu.memref_slice %arg16[%add3A_67, %dma_start3A_90] : memref<10240x128xf32, #tpu.memory_space<vmem_shared>> -> memref<128x128xf32, #tpu.memory_space<vmem_shared>>
      tpu.enqueue_dma source(%arg15 : memref<128x128xf32, #tpu.memory_space<vmem>>) target(%dma_start3A_91 : memref<128x128xf32, #tpu.memory_space<vmem_shared>>) target_semaphore(%run_scoped3A : memref<!tpu.dma_semaphore, #tpu.memory_space<semaphore_mem>>)
      %dma_wait3A = arith.constant 0 : i32
      %dma_wait3A_92 = tpu.memref_slice %arg16[%add3A_67, %dma_wait3A] : memref<10240x128xf32, #tpu.memory_space<vmem_shared>> -> memref<128x128xf32, #tpu.memory_space<vmem_shared>>
      %dma_wait3A_93 = arith.constant 0 : i32
      %dma_wait3A_94 = tpu.memref_slice %arg16[%add3A_67, %dma_wait3A_93] : memref<10240x128xf32, #tpu.memory_space<vmem_shared>> -> memref<128x128xf32, #tpu.memory_space<vmem_shared>>
      tpu.wait_dma2 semaphore(%run_scoped3A : memref<!tpu.dma_semaphore, #tpu.memory_space<semaphore_mem>>) src(%arg15 : memref<128x128xf32, #tpu.memory_space<vmem>>) dst(%dma_wait3A_94 : memref<128x128xf32, #tpu.memory_space<vmem_shared>>)
      tpu.yield
    }) : () -> ()
    %add3A_68 = arith.constant 512 : i32
    %add3A_69 = arith.addi %mul3A_6, %add3A_68 : i32
    "tpu.region"() ({
      %run_scoped3A = tpu.sem_alloc : memref<!tpu.dma_semaphore, #tpu.memory_space<semaphore_mem>>
      %dma_start3A = arith.constant 0 : i32
      %dma_start3A_89 = tpu.memref_slice %arg16[%add3A_69, %dma_start3A] : memref<10240x128xf32, #tpu.memory_space<vmem_shared>> -> memref<128x128xf32, #tpu.memory_space<vmem_shared>>
      %dma_start3A_90 = arith.constant 0 : i32
      %dma_start3A_91 = tpu.memref_slice %arg16[%add3A_69, %dma_start3A_90] : memref<10240x128xf32, #tpu.memory_space<vmem_shared>> -> memref<128x128xf32, #tpu.memory_space<vmem_shared>>
      tpu.enqueue_dma source(%arg15 : memref<128x128xf32, #tpu.memory_space<vmem>>) target(%dma_start3A_91 : memref<128x128xf32, #tpu.memory_space<vmem_shared>>) target_semaphore(%run_scoped3A : memref<!tpu.dma_semaphore, #tpu.memory_space<semaphore_mem>>)
      %dma_wait3A = arith.constant 0 : i32
      %dma_wait3A_92 = tpu.memref_slice %arg16[%add3A_69, %dma_wait3A] : memref<10240x128xf32, #tpu.memory_space<vmem_shared>> -> memref<128x128xf32, #tpu.memory_space<vmem_shared>>
      %dma_wait3A_93 = arith.constant 0 : i32
      %dma_wait3A_94 = tpu.memref_slice %arg16[%add3A_69, %dma_wait3A_93] : memref<10240x128xf32, #tpu.memory_space<vmem_shared>> -> memref<128x128xf32, #tpu.memory_space<vmem_shared>>
      tpu.wait_dma2 semaphore(%run_scoped3A : memref<!tpu.dma_semaphore, #tpu.memory_space<semaphore_mem>>) src(%arg15 : memref<128x128xf32, #tpu.memory_space<vmem>>) dst(%dma_wait3A_94 : memref<128x128xf32, #tpu.memory_space<vmem_shared>>)
      tpu.yield
    }) : () -> ()
    %barrier3A_70 = arith.constant 0 : index
    tpu.barrier barrier_id(%barrier3A_70)
    %scan3A_71 = arith.constant 0 : i32
    %scan3A_72 = arith.constant 0 : i32
    %scan3A_73 = arith.constant 79 : i32
    %scan3A_74 = arith.addi %scan3A_72, %scan3A_73 : i32
    %scan3A_75 = arith.constant 1 : i32
    scf.for %scan3A_89 = %scan3A_72 to %scan3A_74 step %scan3A_75  : i32 {
      %mul3A_90 = arith.constant 128 : i32
      %mul3A_91 = arith.muli %scan3A_89, %mul3A_90 : i32
      %add3A_92 = arith.addi %mul3A_4, %mul3A_91 : i32
      "tpu.region"() ({
        %run_scoped3A = tpu.sem_alloc : memref<!tpu.dma_semaphore, #tpu.memory_space<semaphore_mem>>
        %dma_start3A_100 = tpu.memref_slice %arg7[%add3A_92] : memref<323584xi32, #tpu.memory_space<hbm>> -> memref<128xi32, #tpu.memory_space<hbm>>
        %dma_start3A_101 = tpu.memref_slice %arg7[%add3A_92] : memref<323584xi32, #tpu.memory_space<hbm>> -> memref<128xi32, #tpu.memory_space<hbm>>
        tpu.enqueue_dma source(%dma_start3A_101 : memref<128xi32, #tpu.memory_space<hbm>>) target(%arg13 : memref<128xi32, #tpu.memory_space<vmem>>) target_semaphore(%run_scoped3A : memref<!tpu.dma_semaphore, #tpu.memory_space<semaphore_mem>>)
        %dma_wait3A_102 = tpu.memref_slice %arg7[%add3A_92] : memref<323584xi32, #tpu.memory_space<hbm>> -> memref<128xi32, #tpu.memory_space<hbm>>
        %dma_wait3A_103 = tpu.memref_slice %arg7[%add3A_92] : memref<323584xi32, #tpu.memory_space<hbm>> -> memref<128xi32, #tpu.memory_space<hbm>>
        tpu.wait_dma2 semaphore(%run_scoped3A : memref<!tpu.dma_semaphore, #tpu.memory_space<semaphore_mem>>) src(%dma_wait3A_103 : memref<128xi32, #tpu.memory_space<hbm>>) dst(%arg13 : memref<128xi32, #tpu.memory_space<vmem>>)
        tpu.yield
      }) : () -> ()
      %dma_start3A = arith.constant 0 : i32
      %dma_start3A_93 = arith.constant 0 : i32
      %dma_start3A_94 = tpu.memref_slice %arg4[%dma_start3A, %dma_start3A_93] : memref<10000x128xf32, #tpu.memory_space<hbm>> -> memref<10000x128xf32, #tpu.memory_space<hbm>>
      tpu.enqueue_indirect_dma source(%dma_start3A_94 : memref<10000x128xf32, #tpu.memory_space<hbm>>) target(%arg15 : memref<128x128xf32, #tpu.memory_space<vmem>>) offsets(%arg13 : memref<128xi32, #tpu.memory_space<vmem>>) semaphore(%arg17 : memref<!tpu.dma_semaphore, #tpu.memory_space<semaphore_mem>>)
      %dma_wait3A = arith.constant 0 : i32
      %dma_wait3A_95 = arith.constant 0 : i32
      %dma_wait3A_96 = tpu.memref_slice %arg4[%dma_wait3A, %dma_wait3A_95] : memref<10000x128xf32, #tpu.memory_space<hbm>> -> memref<10000x128xf32, #tpu.memory_space<hbm>>
      tpu.wait_indirect_dma semaphore(%arg17 : memref<!tpu.dma_semaphore, #tpu.memory_space<semaphore_mem>>) src(%dma_wait3A_96 : memref<10000x128xf32, #tpu.memory_space<hbm>>) dst(%arg15 : memref<128x128xf32, #tpu.memory_space<vmem>>)
      %mul3A_97 = arith.constant 128 : i32
      %mul3A_98 = arith.muli %scan3A_89, %mul3A_97 : i32
      %add3A_99 = arith.addi %mul3A_4, %mul3A_98 : i32
      "tpu.region"() ({
        %run_scoped3A = tpu.sem_alloc : memref<!tpu.dma_semaphore, #tpu.memory_space<semaphore_mem>>
        %dma_start3A_100 = tpu.memref_slice %arg10[%add3A_99] : memref<323584xi32, #tpu.memory_space<hbm>> -> memref<128xi32, #tpu.memory_space<hbm>>
        %dma_start3A_101 = tpu.memref_slice %arg10[%add3A_99] : memref<323584xi32, #tpu.memory_space<hbm>> -> memref<128xi32, #tpu.memory_space<hbm>>
        tpu.enqueue_dma source(%dma_start3A_101 : memref<128xi32, #tpu.memory_space<hbm>>) target(%arg14 : memref<128xi32, #tpu.memory_space<vmem>>) target_semaphore(%run_scoped3A : memref<!tpu.dma_semaphore, #tpu.memory_space<semaphore_mem>>)
        %dma_wait3A_102 = tpu.memref_slice %arg10[%add3A_99] : memref<323584xi32, #tpu.memory_space<hbm>> -> memref<128xi32, #tpu.memory_space<hbm>>
        %dma_wait3A_103 = tpu.memref_slice %arg10[%add3A_99] : memref<323584xi32, #tpu.memory_space<hbm>> -> memref<128xi32, #tpu.memory_space<hbm>>
        tpu.wait_dma2 semaphore(%run_scoped3A : memref<!tpu.dma_semaphore, #tpu.memory_space<semaphore_mem>>) src(%dma_wait3A_103 : memref<128xi32, #tpu.memory_space<hbm>>) dst(%arg14 : memref<128xi32, #tpu.memory_space<vmem>>)
        tpu.yield
      }) : () -> ()
      "tpu.region"() ({
        %run_scoped3A = tpu.sem_alloc : memref<!tpu.dma_semaphore, #tpu.memory_space<semaphore_mem>>
        %dma_start3A_100 = arith.constant 0 : i32
        %dma_start3A_101 = arith.constant 0 : i32
        %dma_start3A_102 = tpu.memref_slice %arg16[%dma_start3A_100, %dma_start3A_101] : memref<10240x128xf32, #tpu.memory_space<vmem_shared>> -> memref<10240x128xf32, #tpu.memory_space<vmem_shared>>
        tpu.enqueue_indirect_dma source(%arg15 : memref<128x128xf32, #tpu.memory_space<vmem>>) target(%dma_start3A_102 : memref<10240x128xf32, #tpu.memory_space<vmem_shared>>) offsets(%arg14 : memref<128xi32, #tpu.memory_space<vmem>>) semaphore(%run_scoped3A : memref<!tpu.dma_semaphore, #tpu.memory_space<semaphore_mem>>) {add = true}
        %dma_wait3A_103 = arith.constant 0 : i32
        %dma_wait3A_104 = arith.constant 0 : i32
        %dma_wait3A_105 = tpu.memref_slice %arg16[%dma_wait3A_103, %dma_wait3A_104] : memref<10240x128xf32, #tpu.memory_space<vmem_shared>> -> memref<10240x128xf32, #tpu.memory_space<vmem_shared>>
        tpu.wait_indirect_dma semaphore(%run_scoped3A : memref<!tpu.dma_semaphore, #tpu.memory_space<semaphore_mem>>) src(%arg15 : memref<128x128xf32, #tpu.memory_space<vmem>>) dst(%dma_wait3A_105 : memref<10240x128xf32, #tpu.memory_space<vmem_shared>>)
        tpu.yield
      }) : () -> ()
    }
    %scan3A_76 = arith.constant 79 : i32
    %barrier3A_77 = arith.constant 0 : index
    tpu.barrier barrier_id(%barrier3A_77)
    %add3A_78 = arith.constant 4 : i32
    %add3A_79 = arith.addi %add3A_78, %arg0 : i32
    %mul3A_80 = arith.constant 10000 : i32
    %mul3A_81 = arith.muli %add3A_79, %mul3A_80 : i32
    %add3A_82 = arith.addi %mul3A_81, %mul3A_6 : i32
    "tpu.region"() ({
      %run_scoped3A = tpu.sem_alloc : memref<!tpu.dma_semaphore, #tpu.memory_space<semaphore_mem>>
      %dma_start3A = arith.constant 0 : i32
      %dma_start3A_89 = tpu.memref_slice %arg12[%add3A_82, %dma_start3A] : memref<60000x128xf32, #tpu.memory_space<hbm>> -> memref<400x128xf32, #tpu.memory_space<hbm>>
      %dma_start3A_90 = arith.constant 0 : i32
      %dma_start3A_91 = tpu.memref_slice %arg16[%mul3A_6, %dma_start3A_90] : memref<10240x128xf32, #tpu.memory_space<vmem_shared>> -> memref<400x128xf32, #tpu.memory_space<vmem_shared>>
      tpu.enqueue_dma source(%dma_start3A_91 : memref<400x128xf32, #tpu.memory_space<vmem_shared>>) target(%dma_start3A_89 : memref<400x128xf32, #tpu.memory_space<hbm>>) target_semaphore(%run_scoped3A : memref<!tpu.dma_semaphore, #tpu.memory_space<semaphore_mem>>)
      %dma_wait3A = arith.constant 0 : i32
      %dma_wait3A_92 = tpu.memref_slice %arg12[%add3A_82, %dma_wait3A] : memref<60000x128xf32, #tpu.memory_space<hbm>> -> memref<400x128xf32, #tpu.memory_space<hbm>>
      %dma_wait3A_93 = arith.constant 0 : i32
      %dma_wait3A_94 = tpu.memref_slice %arg16[%mul3A_6, %dma_wait3A_93] : memref<10240x128xf32, #tpu.memory_space<vmem_shared>> -> memref<400x128xf32, #tpu.memory_space<vmem_shared>>
      tpu.wait_dma2 semaphore(%run_scoped3A : memref<!tpu.dma_semaphore, #tpu.memory_space<semaphore_mem>>) src(%dma_wait3A_94 : memref<400x128xf32, #tpu.memory_space<vmem_shared>>) dst(%dma_wait3A_92 : memref<400x128xf32, #tpu.memory_space<hbm>>)
      tpu.yield
    }) : () -> ()
    %lt3A_83 = arith.constant 15 : i32
    %lt3A_84 = arith.cmpi slt, %arg1, %lt3A_83 : i32
    %convert_element_type3A_85 = arith.extui %lt3A_84 : i1 to i32
    %cond3A_86 = arith.constant 0 : i32
    %cond3A_87 = arith.cmpi ne, %convert_element_type3A_85, %cond3A_86 : i32
    scf.if %cond3A_87 {
      %add3A_89 = arith.constant 400 : i32
      %add3A_90 = arith.addi %mul3A_6, %add3A_89 : i32
      %add3A_91 = arith.constant 400 : i32
      %add3A_92 = arith.addi %add3A_82, %add3A_91 : i32
      "tpu.region"() ({
        %run_scoped3A = tpu.sem_alloc : memref<!tpu.dma_semaphore, #tpu.memory_space<semaphore_mem>>
        %dma_start3A = arith.constant 0 : i32
        %dma_start3A_93 = tpu.memref_slice %arg12[%add3A_92, %dma_start3A] : memref<60000x128xf32, #tpu.memory_space<hbm>> -> memref<240x128xf32, #tpu.memory_space<hbm>>
        %dma_start3A_94 = arith.constant 0 : i32
        %dma_start3A_95 = tpu.memref_slice %arg16[%add3A_90, %dma_start3A_94] : memref<10240x128xf32, #tpu.memory_space<vmem_shared>> -> memref<240x128xf32, #tpu.memory_space<vmem_shared>>
        tpu.enqueue_dma source(%dma_start3A_95 : memref<240x128xf32, #tpu.memory_space<vmem_shared>>) target(%dma_start3A_93 : memref<240x128xf32, #tpu.memory_space<hbm>>) target_semaphore(%run_scoped3A : memref<!tpu.dma_semaphore, #tpu.memory_space<semaphore_mem>>)
        %dma_wait3A = arith.constant 0 : i32
        %dma_wait3A_96 = tpu.memref_slice %arg12[%add3A_92, %dma_wait3A] : memref<60000x128xf32, #tpu.memory_space<hbm>> -> memref<240x128xf32, #tpu.memory_space<hbm>>
        %dma_wait3A_97 = arith.constant 0 : i32
        %dma_wait3A_98 = tpu.memref_slice %arg16[%add3A_90, %dma_wait3A_97] : memref<10240x128xf32, #tpu.memory_space<vmem_shared>> -> memref<240x128xf32, #tpu.memory_space<vmem_shared>>
        tpu.wait_dma2 semaphore(%run_scoped3A : memref<!tpu.dma_semaphore, #tpu.memory_space<semaphore_mem>>) src(%dma_wait3A_98 : memref<240x128xf32, #tpu.memory_space<vmem_shared>>) dst(%dma_wait3A_96 : memref<240x128xf32, #tpu.memory_space<hbm>>)
        tpu.yield
      }) : () -> ()
    } else {
    }
    %barrier3A_88 = arith.constant 0 : index
    tpu.barrier barrier_id(%barrier3A_88)
    return
  }
}

module attributes {stable_mosaic.version = 14 : i64} {
  func.func @body(%arg0: i32, %arg1: memref<1000x128xf32, #tpu.memory_space<vmem>>, %arg2: memref<1000x128xf32, #tpu.memory_space<vmem>>, %arg3: memref<128x128xf32, #tpu.memory_space<vmem>>, %arg4: memref<128x128xf32, #tpu.memory_space<vmem>>, %arg5: memref<128x128xf32, #tpu.memory_space<vmem>>, %arg6: memref<128x128xf32, #tpu.memory_space<vmem>>, %arg7: memref<1000x128xf32, #tpu.memory_space<vmem>>, %arg8: memref<1000x128xf32, #tpu.memory_space<vmem>>, %arg9: memref<1000x128xf32, #tpu.memory_space<vmem>>) attributes {dimension_semantics = [#tpu.dimension_semantics<arbitrary>], iteration_bounds = array<i64: 10>, scalar_prefetch = 0 : i64, scratch_operands = 0 : i64, tpu.core_type = #tpu.core_type<tc>, window_params = [{transform_indices = @transform_0, window_bounds = array<i64: 1000, 128>}, {transform_indices = @transform_1, window_bounds = array<i64: 1000, 128>}, {pipeline_mode = #tpu.pipeline_mode<synchronous>, transform_indices = @transform_2, window_bounds = array<i64: 128, 128>}, {pipeline_mode = #tpu.pipeline_mode<synchronous>, transform_indices = @transform_3, window_bounds = array<i64: 128, 128>}, {pipeline_mode = #tpu.pipeline_mode<synchronous>, transform_indices = @transform_4, window_bounds = array<i64: 128, 128>}, {pipeline_mode = #tpu.pipeline_mode<synchronous>, transform_indices = @transform_5, window_bounds = array<i64: 128, 128>}, {transform_indices = @transform_6, window_bounds = array<i64: 1000, 128>}, {transform_indices = @transform_7, window_bounds = array<i64: 1000, 128>}, {transform_indices = @transform_8, window_bounds = array<i64: 1000, 128>}]} {
    %get3A = arith.constant 0 : index
    %get3A_0 = arith.constant 0 : index
    %get3A_1 = vector.load %arg1[%get3A, %get3A_0] : memref<1000x128xf32, #tpu.memory_space<vmem>>, vector<1000x128xf32>
    %get3A_2 = arith.constant 0 : index
    %get3A_3 = arith.constant 0 : index
    %get3A_4 = vector.load %arg2[%get3A_2, %get3A_3] : memref<1000x128xf32, #tpu.memory_space<vmem>>, vector<1000x128xf32>
    %get3A_5 = arith.constant 0 : index
    %get3A_6 = arith.constant 0 : index
    %get3A_7 = vector.load %arg3[%get3A_5, %get3A_6] : memref<128x128xf32, #tpu.memory_space<vmem>>, vector<128x128xf32>
    %dot_general3A = arith.constant dense<0.000000e+00> : vector<1000x128xf32>
    %dot_general3A_8 = tpu.matmul %get3A_1, %get3A_7, %dot_general3A {dimension_numbers = #tpu.dot_dimension_numbers<[1], [0], [0], [1], [0, 0, 1, 1], [], []>, transpose_lhs_hint = false} : vector<1000x128xf32>, vector<128x128xf32>, vector<1000x128xf32> -> vector<1000x128xf32>
    %swap3A = arith.constant 0 : index
    %swap3A_9 = arith.constant 0 : index
    %swap3A_10 = vector.load %arg7[%swap3A, %swap3A_9] : memref<1000x128xf32, #tpu.memory_space<vmem>>, vector<1000x128xf32>
    tpu.vector_store %arg7[%swap3A, %swap3A_9], %dot_general3A_8 {strides = array<i32>} : memref<1000x128xf32, #tpu.memory_space<vmem>>, vector<1000x128xf32>,
    %get3A_11 = arith.constant 0 : index
    %get3A_12 = arith.constant 0 : index
    %get3A_13 = vector.load %arg4[%get3A_11, %get3A_12] : memref<128x128xf32, #tpu.memory_space<vmem>>, vector<128x128xf32>
    %dot_general3A_14 = arith.constant dense<0.000000e+00> : vector<1000x128xf32>
    %dot_general3A_15 = tpu.matmul %get3A_4, %get3A_13, %dot_general3A_14 {dimension_numbers = #tpu.dot_dimension_numbers<[1], [0], [0], [1], [0, 0, 1, 1], [], []>, transpose_lhs_hint = false} : vector<1000x128xf32>, vector<128x128xf32>, vector<1000x128xf32> -> vector<1000x128xf32>
    %swap3A_16 = arith.constant 0 : index
    %swap3A_17 = arith.constant 0 : index
    %swap3A_18 = vector.load %arg8[%swap3A_16, %swap3A_17] : memref<1000x128xf32, #tpu.memory_space<vmem>>, vector<1000x128xf32>
    tpu.vector_store %arg8[%swap3A_16, %swap3A_17], %dot_general3A_15 {strides = array<i32>} : memref<1000x128xf32, #tpu.memory_space<vmem>>, vector<1000x128xf32>,
    %get3A_19 = arith.constant 0 : index
    %get3A_20 = arith.constant 0 : index
    %get3A_21 = vector.load %arg5[%get3A_19, %get3A_20] : memref<128x128xf32, #tpu.memory_space<vmem>>, vector<128x128xf32>
    %dot_general3A_22 = arith.constant dense<0.000000e+00> : vector<1000x128xf32>
    %dot_general3A_23 = tpu.matmul %get3A_1, %get3A_21, %dot_general3A_22 {dimension_numbers = #tpu.dot_dimension_numbers<[1], [0], [0], [1], [0, 0, 1, 1], [], []>, transpose_lhs_hint = false} : vector<1000x128xf32>, vector<128x128xf32>, vector<1000x128xf32> -> vector<1000x128xf32>
    %get3A_24 = arith.constant 0 : index
    %get3A_25 = arith.constant 0 : index
    %get3A_26 = vector.load %arg6[%get3A_24, %get3A_25] : memref<128x128xf32, #tpu.memory_space<vmem>>, vector<128x128xf32>
    %dot_general3A_27 = arith.constant dense<0.000000e+00> : vector<1000x128xf32>
    %dot_general3A_28 = tpu.matmul %get3A_4, %get3A_26, %dot_general3A_27 {dimension_numbers = #tpu.dot_dimension_numbers<[1], [0], [0], [1], [0, 0, 1, 1], [], []>, transpose_lhs_hint = false} : vector<1000x128xf32>, vector<128x128xf32>, vector<1000x128xf32> -> vector<1000x128xf32>
    %add3A = arith.addf %dot_general3A_23, %dot_general3A_28 : vector<1000x128xf32>
    %swap3A_29 = arith.constant 0 : index
    %swap3A_30 = arith.constant 0 : index
    %swap3A_31 = vector.load %arg9[%swap3A_29, %swap3A_30] : memref<1000x128xf32, #tpu.memory_space<vmem>>, vector<1000x128xf32>
    tpu.vector_store %arg9[%swap3A_29, %swap3A_30], %add3A {strides = array<i32>} : memref<1000x128xf32, #tpu.memory_space<vmem>>, vector<1000x128xf32>,
    return
  }
  func.func @transform_0(%arg0: i32) -> (i32, i32) {
    %c0_i32 = arith.constant 0 : i32
    %c0_i32_0 = arith.constant 0 : i32
    return %arg0, %c0_i32 : i32, i32
  }
  func.func @transform_1(%arg0: i32) -> (i32, i32) {
    %c0_i32 = arith.constant 0 : i32
    %c0_i32_0 = arith.constant 0 : i32
    return %arg0, %c0_i32 : i32, i32
  }
  func.func @transform_2(%arg0: i32) -> (i32, i32) {
    %c0_i32 = arith.constant 0 : i32
    %c0_i32_0 = arith.constant 0 : i32
    %c0_i32_1 = arith.constant 0 : i32
    return %c0_i32, %c0_i32_0 : i32, i32
  }
  func.func @transform_3(%arg0: i32) -> (i32, i32) {
    %c0_i32 = arith.constant 0 : i32
    %c0_i32_0 = arith.constant 0 : i32
    %c0_i32_1 = arith.constant 0 : i32
    return %c0_i32, %c0_i32_0 : i32, i32
  }
  func.func @transform_4(%arg0: i32) -> (i32, i32) {
    %c0_i32 = arith.constant 0 : i32
    %c0_i32_0 = arith.constant 0 : i32
    %c0_i32_1 = arith.constant 0 : i32
    return %c0_i32, %c0_i32_0 : i32, i32
  }
  func.func @transform_5(%arg0: i32) -> (i32, i32) {
    %c0_i32 = arith.constant 0 : i32
    %c0_i32_0 = arith.constant 0 : i32
    %c0_i32_1 = arith.constant 0 : i32
    return %c0_i32, %c0_i32_0 : i32, i32
  }
  func.func @transform_6(%arg0: i32) -> (i32, i32) {
    %c0_i32 = arith.constant 0 : i32
    %c0_i32_0 = arith.constant 0 : i32
    return %arg0, %c0_i32 : i32, i32
  }
  func.func @transform_7(%arg0: i32) -> (i32, i32) {
    %c0_i32 = arith.constant 0 : i32
    %c0_i32_0 = arith.constant 0 : i32
    return %arg0, %c0_i32 : i32, i32
  }
  func.func @transform_8(%arg0: i32) -> (i32, i32) {
    %c0_i32 = arith.constant 0 : i32
    %c0_i32_0 = arith.constant 0 : i32
    return %arg0, %c0_i32 : i32, i32
  }
}

module attributes {stable_mosaic.version = 14 : i64} {
  func.func @body(%arg0: i32, %arg1: memref<2x1000x128xf32, #tpu.memory_space<vmem>>, %arg2: memref<128x128xf32, #tpu.memory_space<vmem>>, %arg3: memref<128x128xf32, #tpu.memory_space<vmem>>, %arg4: memref<1x128xf32, #tpu.memory_space<vmem>>, %arg5: memref<1x128xf32, #tpu.memory_space<vmem>>, %arg6: memref<1x128xf32, #tpu.memory_space<vmem>>, %arg7: memref<1x128xf32, #tpu.memory_space<vmem>>, %arg8: memref<8x128xf32, #tpu.memory_space<vmem>>, %arg9: memref<4xf32, #tpu.memory_space<smem>>) attributes {dimension_semantics = [#tpu.dimension_semantics<arbitrary>], iteration_bounds = array<i64: 10>, scalar_prefetch = 0 : i64, scratch_operands = 2 : i64, tpu.core_type = #tpu.core_type<tc>, window_params = [{transform_indices = @transform_0, window_bounds = array<i64: 2, 1000, 128>}, {pipeline_mode = #tpu.pipeline_mode<synchronous>, transform_indices = @transform_1, window_bounds = array<i64: 128, 128>}, {pipeline_mode = #tpu.pipeline_mode<synchronous>, transform_indices = @transform_2, window_bounds = array<i64: 128, 128>}, {pipeline_mode = #tpu.pipeline_mode<synchronous>, transform_indices = @transform_3, window_bounds = array<i64: 1, 128>}, {pipeline_mode = #tpu.pipeline_mode<synchronous>, transform_indices = @transform_4, window_bounds = array<i64: 1, 128>}, {pipeline_mode = #tpu.pipeline_mode<synchronous>, transform_indices = @transform_5, window_bounds = array<i64: 1, 128>}, {pipeline_mode = #tpu.pipeline_mode<synchronous>, transform_indices = @transform_6, window_bounds = array<i64: 1, 128>}]} {
    %eq3A = arith.constant 0 : i32
    %eq3A_0 = arith.cmpi eq, %arg0, %eq3A : i32
    %convert_element_type3A = arith.extui %eq3A_0 : i1 to i32
    %cond3A = arith.constant 0 : i32
    %cond3A_1 = arith.cmpi ne, %convert_element_type3A, %cond3A : i32
    scf.if %cond3A_1 {
      %swap3A_137 = arith.constant -1.000000e+30 : f32
      %swap3A_138 = arith.constant 0 : index
      %swap3A_139 = memref.load %arg9[%swap3A_138] : memref<4xf32, #tpu.memory_space<smem>>
      memref.store %swap3A_137, %arg9[%swap3A_138] : memref<4xf32, #tpu.memory_space<smem>>
      %swap3A_140 = arith.constant 0.000000e+00 : f32
      %swap3A_141 = arith.constant 1 : index
      %swap3A_142 = memref.load %arg9[%swap3A_141] : memref<4xf32, #tpu.memory_space<smem>>
      memref.store %swap3A_140, %arg9[%swap3A_141] : memref<4xf32, #tpu.memory_space<smem>>
      %swap3A_143 = arith.constant -1.000000e+30 : f32
      %swap3A_144 = arith.constant 2 : index
      %swap3A_145 = memref.load %arg9[%swap3A_144] : memref<4xf32, #tpu.memory_space<smem>>
      memref.store %swap3A_143, %arg9[%swap3A_144] : memref<4xf32, #tpu.memory_space<smem>>
      %swap3A_146 = arith.constant 0.000000e+00 : f32
      %swap3A_147 = arith.constant 3 : index
      %swap3A_148 = memref.load %arg9[%swap3A_147] : memref<4xf32, #tpu.memory_space<smem>>
      memref.store %swap3A_146, %arg9[%swap3A_147] : memref<4xf32, #tpu.memory_space<smem>>
      %broadcast_in_dim3A_149 = arith.constant 0.000000e+00 : f32
      %broadcast_in_dim3A_150 = vector.broadcast %broadcast_in_dim3A_149 : f32 to vector<8x128xf32>
      %swap3A_151 = arith.constant 0 : index
      %swap3A_152 = arith.constant 0 : index
      %swap3A_153 = vector.load %arg8[%swap3A_151, %swap3A_152] : memref<8x128xf32, #tpu.memory_space<vmem>>, vector<8x128xf32>
      tpu.vector_store %arg8[%swap3A_151, %swap3A_152], %broadcast_in_dim3A_150 {strides = array<i32>} : memref<8x128xf32, #tpu.memory_space<vmem>>, vector<8x128xf32>,
    } else {
    }
    %get3A = arith.constant 0 : index
    %get3A_2 = arith.constant 0 : index
    %get3A_3 = arith.constant 0 : index
    %get3A_4 = vector.load %arg1[%get3A, %get3A_2, %get3A_3] : memref<2x1000x128xf32, #tpu.memory_space<vmem>>, vector<1x1000x128xf32>
    %get3A_5 = vector.shape_cast %get3A_4 : vector<1x1000x128xf32> to vector<1000x128xf32>
    %get3A_6 = arith.constant 1 : index
    %get3A_7 = arith.constant 0 : index
    %get3A_8 = arith.constant 0 : index
    %get3A_9 = vector.load %arg1[%get3A_6, %get3A_7, %get3A_8] : memref<2x1000x128xf32, #tpu.memory_space<vmem>>, vector<1x1000x128xf32>
    %get3A_10 = vector.shape_cast %get3A_9 : vector<1x1000x128xf32> to vector<1000x128xf32>
    %add3A = arith.addf %get3A_5, %get3A_10 : vector<1000x128xf32>
    %get3A_11 = arith.constant 0 : index
    %get3A_12 = arith.constant 0 : index
    %get3A_13 = vector.load %arg2[%get3A_11, %get3A_12] : memref<128x128xf32, #tpu.memory_space<vmem>>, vector<128x128xf32>
    %dot_general3A = arith.constant dense<0.000000e+00> : vector<1000x128xf32>
    %dot_general3A_14 = tpu.matmul %add3A, %get3A_13, %dot_general3A {dimension_numbers = #tpu.dot_dimension_numbers<[1], [0], [0], [1], [0, 0, 1, 1], [], []>, transpose_lhs_hint = false} : vector<1000x128xf32>, vector<128x128xf32>, vector<1000x128xf32> -> vector<1000x128xf32>
    %mul3A = arith.mulf %dot_general3A_14, %dot_general3A_14 : vector<1000x128xf32>
    %reduce_sum3A = arith.constant dense<0.000000e+00> : vector<1000xf32>
    %reduce_sum3A_15 = vector.multi_reduction <add>, %mul3A, %reduce_sum3A [1] : vector<1000x128xf32> to vector<1000xf32>
    %broadcast_in_dim3A = vector.shape_cast %reduce_sum3A_15 : vector<1000xf32> to vector<1000x1xf32>
    %sqrt3A = math.sqrt %broadcast_in_dim3A : vector<1000x1xf32>
    %add3A_16 = arith.constant 9.99999997E-7 : f32
    %add3A_17 = vector.broadcast %add3A_16 : f32 to vector<1000x1xf32>
    %add3A_18 = arith.addf %sqrt3A, %add3A_17 : vector<1000x1xf32>
    %div3A = vector.broadcast %add3A_18 : vector<1000x1xf32> to vector<1000x128xf32>
    %div3A_19 = arith.divf %dot_general3A_14, %div3A : vector<1000x128xf32>
    %get3A_20 = arith.constant 0 : index
    %get3A_21 = arith.constant 0 : index
    %get3A_22 = vector.load %arg4[%get3A_20, %get3A_21] : memref<1x128xf32, #tpu.memory_space<vmem>>, vector<1x128xf32>
    %mul3A_23 = vector.broadcast %get3A_22 : vector<1x128xf32> to vector<1000x128xf32>
    %mul3A_24 = arith.mulf %div3A_19, %mul3A_23 : vector<1000x128xf32>
    %reduce_sum3A_25 = arith.constant dense<0.000000e+00> : vector<1000xf32>
    %reduce_sum3A_26 = vector.multi_reduction <add>, %mul3A_24, %reduce_sum3A_25 [1] : vector<1000x128xf32> to vector<1000xf32>
    %broadcast_in_dim3A_27 = vector.shape_cast %reduce_sum3A_26 : vector<1000xf32> to vector<1000x1xf32>
    %div3A_28 = arith.constant 11.3137083 : f32
    %div3A_29 = vector.broadcast %div3A_28 : f32 to vector<1000x1xf32>
    %div3A_30 = arith.divf %broadcast_in_dim3A_27, %div3A_29 : vector<1000x1xf32>
    %get3A_31 = arith.constant 0 : index
    %get3A_32 = memref.load %arg9[%get3A_31] : memref<4xf32, #tpu.memory_space<smem>>
    %reduce_max3A = vector.shape_cast %div3A_30 : vector<1000x1xf32> to vector<1x1000x1xf32>
    %reduce_max3A_33 = arith.constant dense<0xFF800000> : vector<1xf32>
    %reduce_max3A_34 = vector.multi_reduction <maximumf>, %reduce_max3A, %reduce_max3A_33 [1, 2] : vector<1x1000x1xf32> to vector<1xf32>
    %reduce_max3A_35 = vector.shape_cast %reduce_max3A_34 : vector<1xf32> to vector<1x1x1xf32>
    %reduce_max3A_36 = vector.extract %reduce_max3A_35[0, 0, 0] : f32 from vector<1x1x1xf32>
    %max3A = arith.maximumf %get3A_32, %reduce_max3A_36 : f32
    %sub3A = vector.broadcast %max3A : f32 to vector<1000x1xf32>
    %sub3A_37 = arith.subf %div3A_30, %sub3A : vector<1000x1xf32>
    %exp3A = math.exp %sub3A_37 : vector<1000x1xf32>
    %sub3A_38 = arith.subf %get3A_32, %max3A : f32
    %exp3A_39 = math.exp %sub3A_38 : f32
    %swap3A = arith.constant 0 : index
    %swap3A_40 = memref.load %arg9[%swap3A] : memref<4xf32, #tpu.memory_space<smem>>
    memref.store %max3A, %arg9[%swap3A] : memref<4xf32, #tpu.memory_space<smem>>
    %get3A_41 = arith.constant 1 : index
    %get3A_42 = memref.load %arg9[%get3A_41] : memref<4xf32, #tpu.memory_space<smem>>
    %mul3A_43 = arith.mulf %get3A_42, %exp3A_39 : f32
    %reduce_sum3A_44 = vector.shape_cast %exp3A : vector<1000x1xf32> to vector<1x1000x1xf32>
    %reduce_sum3A_45 = arith.constant dense<0.000000e+00> : vector<1xf32>
    %reduce_sum3A_46 = vector.multi_reduction <add>, %reduce_sum3A_44, %reduce_sum3A_45 [1, 2] : vector<1x1000x1xf32> to vector<1xf32>
    %reduce_sum3A_47 = vector.shape_cast %reduce_sum3A_46 : vector<1xf32> to vector<1x1x1xf32>
    %reduce_sum3A_48 = vector.extract %reduce_sum3A_47[0, 0, 0] : f32 from vector<1x1x1xf32>
    %add3A_49 = arith.addf %mul3A_43, %reduce_sum3A_48 : f32
    %swap3A_50 = arith.constant 1 : index
    %swap3A_51 = memref.load %arg9[%swap3A_50] : memref<4xf32, #tpu.memory_space<smem>>
    memref.store %add3A_49, %arg9[%swap3A_50] : memref<4xf32, #tpu.memory_space<smem>>
    %get3A_52 = arith.constant 0 : index
    %get3A_53 = arith.constant 0 : index
    %get3A_54 = vector.load %arg8[%get3A_52, %get3A_53] : memref<8x128xf32, #tpu.memory_space<vmem>>, vector<1x128xf32>
    %mul3A_55 = vector.broadcast %exp3A_39 : f32 to vector<1x128xf32>
    %mul3A_56 = arith.mulf %get3A_54, %mul3A_55 : vector<1x128xf32>
    %mul3A_57 = vector.broadcast %exp3A : vector<1000x1xf32> to vector<1000x128xf32>
    %mul3A_58 = arith.mulf %mul3A_57, %div3A_19 : vector<1000x128xf32>
    %reduce_sum3A_59 = arith.constant dense<0.000000e+00> : vector<128xf32>
    %reduce_sum3A_60 = vector.multi_reduction <add>, %mul3A_58, %reduce_sum3A_59 [0] : vector<1000x128xf32> to vector<128xf32>
    %broadcast_in_dim3A_61 = vector.shape_cast %reduce_sum3A_60 : vector<128xf32> to vector<1x128xf32>
    %add3A_62 = arith.addf %mul3A_56, %broadcast_in_dim3A_61 : vector<1x128xf32>
    %swap3A_63 = arith.constant 0 : index
    %swap3A_64 = arith.constant 0 : index
    %swap3A_65 = vector.load %arg8[%swap3A_63, %swap3A_64] : memref<8x128xf32, #tpu.memory_space<vmem>>, vector<1x128xf32>
    tpu.vector_store %arg8[%swap3A_63, %swap3A_64], %add3A_62 {strides = array<i32>} : memref<8x128xf32, #tpu.memory_space<vmem>>, vector<1x128xf32>,
    %get3A_66 = arith.constant 0 : index
    %get3A_67 = arith.constant 0 : index
    %get3A_68 = vector.load %arg3[%get3A_66, %get3A_67] : memref<128x128xf32, #tpu.memory_space<vmem>>, vector<128x128xf32>
    %dot_general3A_69 = arith.constant dense<0.000000e+00> : vector<1000x128xf32>
    %dot_general3A_70 = tpu.matmul %add3A, %get3A_68, %dot_general3A_69 {dimension_numbers = #tpu.dot_dimension_numbers<[1], [0], [0], [1], [0, 0, 1, 1], [], []>, transpose_lhs_hint = false} : vector<1000x128xf32>, vector<128x128xf32>, vector<1000x128xf32> -> vector<1000x128xf32>
    %mul3A_71 = arith.mulf %dot_general3A_70, %dot_general3A_70 : vector<1000x128xf32>
    %reduce_sum3A_72 = arith.constant dense<0.000000e+00> : vector<1000xf32>
    %reduce_sum3A_73 = vector.multi_reduction <add>, %mul3A_71, %reduce_sum3A_72 [1] : vector<1000x128xf32> to vector<1000xf32>
    %broadcast_in_dim3A_74 = vector.shape_cast %reduce_sum3A_73 : vector<1000xf32> to vector<1000x1xf32>
    %sqrt3A_75 = math.sqrt %broadcast_in_dim3A_74 : vector<1000x1xf32>
    %add3A_76 = arith.constant 9.99999997E-7 : f32
    %add3A_77 = vector.broadcast %add3A_76 : f32 to vector<1000x1xf32>
    %add3A_78 = arith.addf %sqrt3A_75, %add3A_77 : vector<1000x1xf32>
    %div3A_79 = vector.broadcast %add3A_78 : vector<1000x1xf32> to vector<1000x128xf32>
    %div3A_80 = arith.divf %dot_general3A_70, %div3A_79 : vector<1000x128xf32>
    %get3A_81 = arith.constant 0 : index
    %get3A_82 = arith.constant 0 : index
    %get3A_83 = vector.load %arg5[%get3A_81, %get3A_82] : memref<1x128xf32, #tpu.memory_space<vmem>>, vector<1x128xf32>
    %mul3A_84 = vector.broadcast %get3A_83 : vector<1x128xf32> to vector<1000x128xf32>
    %mul3A_85 = arith.mulf %div3A_80, %mul3A_84 : vector<1000x128xf32>
    %reduce_sum3A_86 = arith.constant dense<0.000000e+00> : vector<1000xf32>
    %reduce_sum3A_87 = vector.multi_reduction <add>, %mul3A_85, %reduce_sum3A_86 [1] : vector<1000x128xf32> to vector<1000xf32>
    %broadcast_in_dim3A_88 = vector.shape_cast %reduce_sum3A_87 : vector<1000xf32> to vector<1000x1xf32>
    %div3A_89 = arith.constant 11.3137083 : f32
    %div3A_90 = vector.broadcast %div3A_89 : f32 to vector<1000x1xf32>
    %div3A_91 = arith.divf %broadcast_in_dim3A_88, %div3A_90 : vector<1000x1xf32>
    %get3A_92 = arith.constant 2 : index
    %get3A_93 = memref.load %arg9[%get3A_92] : memref<4xf32, #tpu.memory_space<smem>>
    %reduce_max3A_94 = vector.shape_cast %div3A_91 : vector<1000x1xf32> to vector<1x1000x1xf32>
    %reduce_max3A_95 = arith.constant dense<0xFF800000> : vector<1xf32>
    %reduce_max3A_96 = vector.multi_reduction <maximumf>, %reduce_max3A_94, %reduce_max3A_95 [1, 2] : vector<1x1000x1xf32> to vector<1xf32>
    %reduce_max3A_97 = vector.shape_cast %reduce_max3A_96 : vector<1xf32> to vector<1x1x1xf32>
    %reduce_max3A_98 = vector.extract %reduce_max3A_97[0, 0, 0] : f32 from vector<1x1x1xf32>
    %max3A_99 = arith.maximumf %get3A_93, %reduce_max3A_98 : f32
    %sub3A_100 = vector.broadcast %max3A_99 : f32 to vector<1000x1xf32>
    %sub3A_101 = arith.subf %div3A_91, %sub3A_100 : vector<1000x1xf32>
    %exp3A_102 = math.exp %sub3A_101 : vector<1000x1xf32>
    %sub3A_103 = arith.subf %get3A_93, %max3A_99 : f32
    %exp3A_104 = math.exp %sub3A_103 : f32
    %swap3A_105 = arith.constant 2 : index
    %swap3A_106 = memref.load %arg9[%swap3A_105] : memref<4xf32, #tpu.memory_space<smem>>
    memref.store %max3A_99, %arg9[%swap3A_105] : memref<4xf32, #tpu.memory_space<smem>>
    %get3A_107 = arith.constant 3 : index
    %get3A_108 = memref.load %arg9[%get3A_107] : memref<4xf32, #tpu.memory_space<smem>>
    %mul3A_109 = arith.mulf %get3A_108, %exp3A_104 : f32
    %reduce_sum3A_110 = vector.shape_cast %exp3A_102 : vector<1000x1xf32> to vector<1x1000x1xf32>
    %reduce_sum3A_111 = arith.constant dense<0.000000e+00> : vector<1xf32>
    %reduce_sum3A_112 = vector.multi_reduction <add>, %reduce_sum3A_110, %reduce_sum3A_111 [1, 2] : vector<1x1000x1xf32> to vector<1xf32>
    %reduce_sum3A_113 = vector.shape_cast %reduce_sum3A_112 : vector<1xf32> to vector<1x1x1xf32>
    %reduce_sum3A_114 = vector.extract %reduce_sum3A_113[0, 0, 0] : f32 from vector<1x1x1xf32>
    %add3A_115 = arith.addf %mul3A_109, %reduce_sum3A_114 : f32
    %swap3A_116 = arith.constant 3 : index
    %swap3A_117 = memref.load %arg9[%swap3A_116] : memref<4xf32, #tpu.memory_space<smem>>
    memref.store %add3A_115, %arg9[%swap3A_116] : memref<4xf32, #tpu.memory_space<smem>>
    %get3A_118 = arith.constant 1 : index
    %get3A_119 = arith.constant 0 : index
    %get3A_120 = vector.load %arg8[%get3A_118, %get3A_119] : memref<8x128xf32, #tpu.memory_space<vmem>>, vector<1x128xf32>
    %mul3A_121 = vector.broadcast %exp3A_104 : f32 to vector<1x128xf32>
    %mul3A_122 = arith.mulf %get3A_120, %mul3A_121 : vector<1x128xf32>
    %mul3A_123 = vector.broadcast %exp3A_102 : vector<1000x1xf32> to vector<1000x128xf32>
    %mul3A_124 = arith.mulf %mul3A_123, %div3A_80 : vector<1000x128xf32>
    %reduce_sum3A_125 = arith.constant dense<0.000000e+00> : vector<128xf32>
    %reduce_sum3A_126 = vector.multi_reduction <add>, %mul3A_124, %reduce_sum3A_125 [0] : vector<1000x128xf32> to vector<128xf32>
    %broadcast_in_dim3A_127 = vector.shape_cast %reduce_sum3A_126 : vector<128xf32> to vector<1x128xf32>
    %add3A_128 = arith.addf %mul3A_122, %broadcast_in_dim3A_127 : vector<1x128xf32>
    %swap3A_129 = arith.constant 1 : index
    %swap3A_130 = arith.constant 0 : index
    %swap3A_131 = vector.load %arg8[%swap3A_129, %swap3A_130] : memref<8x128xf32, #tpu.memory_space<vmem>>, vector<1x128xf32>
    tpu.vector_store %arg8[%swap3A_129, %swap3A_130], %add3A_128 {strides = array<i32>} : memref<8x128xf32, #tpu.memory_space<vmem>>, vector<1x128xf32>,
    %eq3A_132 = arith.constant 9 : i32
    %eq3A_133 = arith.cmpi eq, %arg0, %eq3A_132 : i32
    %convert_element_type3A_134 = arith.extui %eq3A_133 : i1 to i32
    %cond3A_135 = arith.constant 0 : i32
    %cond3A_136 = arith.cmpi ne, %convert_element_type3A_134, %cond3A_135 : i32
    scf.if %cond3A_136 {
      %get3A_137 = arith.constant 0 : index
      %get3A_138 = arith.constant 0 : index
      %get3A_139 = vector.load %arg8[%get3A_137, %get3A_138] : memref<8x128xf32, #tpu.memory_space<vmem>>, vector<1x128xf32>
      %get3A_140 = arith.constant 1 : index
      %get3A_141 = memref.load %arg9[%get3A_140] : memref<4xf32, #tpu.memory_space<smem>>
      %div3A_142 = vector.broadcast %get3A_141 : f32 to vector<1x128xf32>
      %div3A_143 = arith.divf %get3A_139, %div3A_142 : vector<1x128xf32>
      %swap3A_144 = arith.constant 0 : index
      %swap3A_145 = arith.constant 0 : index
      %swap3A_146 = vector.load %arg6[%swap3A_144, %swap3A_145] : memref<1x128xf32, #tpu.memory_space<vmem>>, vector<1x128xf32>
      tpu.vector_store %arg6[%swap3A_144, %swap3A_145], %div3A_143 {strides = array<i32>} : memref<1x128xf32, #tpu.memory_space<vmem>>, vector<1x128xf32>,
      %get3A_147 = arith.constant 1 : index
      %get3A_148 = arith.constant 0 : index
      %get3A_149 = vector.load %arg8[%get3A_147, %get3A_148] : memref<8x128xf32, #tpu.memory_space<vmem>>, vector<1x128xf32>
      %get3A_150 = arith.constant 3 : index
      %get3A_151 = memref.load %arg9[%get3A_150] : memref<4xf32, #tpu.memory_space<smem>>
      %div3A_152 = vector.broadcast %get3A_151 : f32 to vector<1x128xf32>
      %div3A_153 = arith.divf %get3A_149, %div3A_152 : vector<1x128xf32>
      %swap3A_154 = arith.constant 0 : index
      %swap3A_155 = arith.constant 0 : index
      %swap3A_156 = vector.load %arg7[%swap3A_154, %swap3A_155] : memref<1x128xf32, #tpu.memory_space<vmem>>, vector<1x128xf32>
      tpu.vector_store %arg7[%swap3A_154, %swap3A_155], %div3A_153 {strides = array<i32>} : memref<1x128xf32, #tpu.memory_space<vmem>>, vector<1x128xf32>,
    } else {
    }
    return
  }
  func.func @transform_0(%arg0: i32) -> (i32, i32, i32) {
    %c0_i32 = arith.constant 0 : i32
    %c0_i32_0 = arith.constant 0 : i32
    %c0_i32_1 = arith.constant 0 : i32
    return %c0_i32, %arg0, %c0_i32_0 : i32, i32, i32
  }
  func.func @transform_1(%arg0: i32) -> (i32, i32) {
    %c0_i32 = arith.constant 0 : i32
    %c0_i32_0 = arith.constant 0 : i32
    %c0_i32_1 = arith.constant 0 : i32
    return %c0_i32, %c0_i32_0 : i32, i32
  }
  func.func @transform_2(%arg0: i32) -> (i32, i32) {
    %c0_i32 = arith.constant 0 : i32
    %c0_i32_0 = arith.constant 0 : i32
    %c0_i32_1 = arith.constant 0 : i32
    return %c0_i32, %c0_i32_0 : i32, i32
  }
  func.func @transform_3(%arg0: i32) -> (i32, i32) {
    %c0_i32 = arith.constant 0 : i32
    %c0_i32_0 = arith.constant 0 : i32
    %c0_i32_1 = arith.constant 0 : i32
    return %c0_i32, %c0_i32_0 : i32, i32
  }
  func.func @transform_4(%arg0: i32) -> (i32, i32) {
    %c0_i32 = arith.constant 0 : i32
    %c0_i32_0 = arith.constant 0 : i32
    %c0_i32_1 = arith.constant 0 : i32
    return %c0_i32, %c0_i32_0 : i32, i32
  }
  func.func @transform_5(%arg0: i32) -> (i32, i32) {
    %c0_i32 = arith.constant 0 : i32
    %c0_i32_0 = arith.constant 0 : i32
    %c0_i32_1 = arith.constant 0 : i32
    return %c0_i32, %c0_i32_0 : i32, i32
  }
  func.func @transform_6(%arg0: i32) -> (i32, i32) {
    %c0_i32 = arith.constant 0 : i32
    %c0_i32_0 = arith.constant 0 : i32
    %c0_i32_1 = arith.constant 0 : i32
    return %c0_i32, %c0_i32_0 : i32, i32
  }
}

module attributes {stable_mosaic.version = 14 : i64} {
  func.func @body(%arg0: i32, %arg1: memref<2x1000x128xf32, #tpu.memory_space<vmem>>, %arg2: memref<2x1000x128xf32, #tpu.memory_space<vmem>>, %arg3: memref<2x1000x128xf32, #tpu.memory_space<vmem>>, %arg4: memref<128x128xf32, #tpu.memory_space<vmem>>, %arg5: memref<128x128xf32, #tpu.memory_space<vmem>>, %arg6: memref<128x128xf32, #tpu.memory_space<vmem>>, %arg7: memref<128x128xf32, #tpu.memory_space<vmem>>, %arg8: memref<128x128xf32, #tpu.memory_space<vmem>>, %arg9: memref<128x128xf32, #tpu.memory_space<vmem>>, %arg10: memref<1x128xf32, #tpu.memory_space<vmem>>, %arg11: memref<1x128xf32, #tpu.memory_space<vmem>>, %arg12: memref<256x256xf32, #tpu.memory_space<vmem>>, %arg13: memref<1x256xf32, #tpu.memory_space<vmem>>, %arg14: memref<1000x256xf32, #tpu.memory_space<vmem>>, %arg15: memref<1000x256xf32, #tpu.memory_space<vmem>>, %arg16: memref<1000x256xf32, #tpu.memory_space<vmem>>, %arg17: memref<2x1000x128xf32, #tpu.memory_space<vmem>>, %arg18: memref<1000x2xf32, #tpu.memory_space<vmem>>) attributes {dimension_semantics = [#tpu.dimension_semantics<arbitrary>], iteration_bounds = array<i64: 10>, scalar_prefetch = 0 : i64, scratch_operands = 0 : i64, tpu.core_type = #tpu.core_type<tc>, window_params = [{transform_indices = @transform_0, window_bounds = array<i64: 2, 1000, 128>}, {transform_indices = @transform_1, window_bounds = array<i64: 2, 1000, 128>}, {transform_indices = @transform_2, window_bounds = array<i64: 2, 1000, 128>}, {pipeline_mode = #tpu.pipeline_mode<synchronous>, transform_indices = @transform_3, window_bounds = array<i64: 128, 128>}, {pipeline_mode = #tpu.pipeline_mode<synchronous>, transform_indices = @transform_4, window_bounds = array<i64: 128, 128>}, {pipeline_mode = #tpu.pipeline_mode<synchronous>, transform_indices = @transform_5, window_bounds = array<i64: 128, 128>}, {pipeline_mode = #tpu.pipeline_mode<synchronous>, transform_indices = @transform_6, window_bounds = array<i64: 128, 128>}, {pipeline_mode = #tpu.pipeline_mode<synchronous>, transform_indices = @transform_7, window_bounds = array<i64: 128, 128>}, {pipeline_mode = #tpu.pipeline_mode<synchronous>, transform_indices = @transform_8, window_bounds = array<i64: 128, 128>}, {pipeline_mode = #tpu.pipeline_mode<synchronous>, transform_indices = @transform_9, window_bounds = array<i64: 1, 128>}, {pipeline_mode = #tpu.pipeline_mode<synchronous>, transform_indices = @transform_10, window_bounds = array<i64: 1, 128>}, {pipeline_mode = #tpu.pipeline_mode<synchronous>, transform_indices = @transform_11, window_bounds = array<i64: 256, 256>}, {pipeline_mode = #tpu.pipeline_mode<synchronous>, transform_indices = @transform_12, window_bounds = array<i64: 1, 256>}, {transform_indices = @transform_13, window_bounds = array<i64: 1000, 256>}, {transform_indices = @transform_14, window_bounds = array<i64: 1000, 256>}, {transform_indices = @transform_15, window_bounds = array<i64: 1000, 256>}, {transform_indices = @transform_16, window_bounds = array<i64: 2, 1000, 128>}, {transform_indices = @transform_17, window_bounds = array<i64: 1000, 2>}]} {
    %get3A = arith.constant 0 : index
    %get3A_0 = arith.constant 0 : index
    %get3A_1 = arith.constant 0 : index
    %get3A_2 = vector.load %arg1[%get3A, %get3A_0, %get3A_1] : memref<2x1000x128xf32, #tpu.memory_space<vmem>>, vector<1x1000x128xf32>
    %get3A_3 = vector.shape_cast %get3A_2 : vector<1x1000x128xf32> to vector<1000x128xf32>
    %get3A_4 = arith.constant 1 : index
    %get3A_5 = arith.constant 0 : index
    %get3A_6 = arith.constant 0 : index
    %get3A_7 = vector.load %arg1[%get3A_4, %get3A_5, %get3A_6] : memref<2x1000x128xf32, #tpu.memory_space<vmem>>, vector<1x1000x128xf32>
    %get3A_8 = vector.shape_cast %get3A_7 : vector<1x1000x128xf32> to vector<1000x128xf32>
    %add3A = arith.addf %get3A_3, %get3A_8 : vector<1000x128xf32>
    %get3A_9 = arith.constant 0 : index
    %get3A_10 = arith.constant 0 : index
    %get3A_11 = vector.load %arg4[%get3A_9, %get3A_10] : memref<128x128xf32, #tpu.memory_space<vmem>>, vector<128x128xf32>
    %dot_general3A = arith.constant dense<0.000000e+00> : vector<1000x128xf32>
    %dot_general3A_12 = tpu.matmul %add3A, %get3A_11, %dot_general3A {dimension_numbers = #tpu.dot_dimension_numbers<[1], [0], [0], [1], [0, 0, 1, 1], [], []>, transpose_lhs_hint = false} : vector<1000x128xf32>, vector<128x128xf32>, vector<1000x128xf32> -> vector<1000x128xf32>
    %mul3A = arith.mulf %dot_general3A_12, %dot_general3A_12 : vector<1000x128xf32>
    %reduce_sum3A = arith.constant dense<0.000000e+00> : vector<1000xf32>
    %reduce_sum3A_13 = vector.multi_reduction <add>, %mul3A, %reduce_sum3A [1] : vector<1000x128xf32> to vector<1000xf32>
    %broadcast_in_dim3A = vector.shape_cast %reduce_sum3A_13 : vector<1000xf32> to vector<1000x1xf32>
    %sqrt3A = math.sqrt %broadcast_in_dim3A : vector<1000x1xf32>
    %add3A_14 = arith.constant 9.99999997E-7 : f32
    %add3A_15 = vector.broadcast %add3A_14 : f32 to vector<1000x1xf32>
    %add3A_16 = arith.addf %sqrt3A, %add3A_15 : vector<1000x1xf32>
    %div3A = vector.broadcast %add3A_16 : vector<1000x1xf32> to vector<1000x128xf32>
    %div3A_17 = arith.divf %dot_general3A_12, %div3A : vector<1000x128xf32>
    %get3A_18 = arith.constant 0 : index
    %get3A_19 = arith.constant 0 : index
    %get3A_20 = arith.constant 0 : index
    %get3A_21 = vector.load %arg2[%get3A_18, %get3A_19, %get3A_20] : memref<2x1000x128xf32, #tpu.memory_space<vmem>>, vector<1x1000x128xf32>
    %get3A_22 = vector.shape_cast %get3A_21 : vector<1x1000x128xf32> to vector<1000x128xf32>
    %get3A_23 = arith.constant 1 : index
    %get3A_24 = arith.constant 0 : index
    %get3A_25 = arith.constant 0 : index
    %get3A_26 = vector.load %arg2[%get3A_23, %get3A_24, %get3A_25] : memref<2x1000x128xf32, #tpu.memory_space<vmem>>, vector<1x1000x128xf32>
    %get3A_27 = vector.shape_cast %get3A_26 : vector<1x1000x128xf32> to vector<1000x128xf32>
    %add3A_28 = arith.addf %get3A_22, %get3A_27 : vector<1000x128xf32>
    %get3A_29 = arith.constant 0 : index
    %get3A_30 = arith.constant 0 : index
    %get3A_31 = vector.load %arg6[%get3A_29, %get3A_30] : memref<128x128xf32, #tpu.memory_space<vmem>>, vector<128x128xf32>
    %dot_general3A_32 = arith.constant dense<0.000000e+00> : vector<1000x128xf32>
    %dot_general3A_33 = tpu.matmul %add3A_28, %get3A_31, %dot_general3A_32 {dimension_numbers = #tpu.dot_dimension_numbers<[1], [0], [0], [1], [0, 0, 1, 1], [], []>, transpose_lhs_hint = false} : vector<1000x128xf32>, vector<128x128xf32>, vector<1000x128xf32> -> vector<1000x128xf32>
    %get3A_34 = arith.constant 0 : index
    %get3A_35 = arith.constant 0 : index
    %get3A_36 = vector.load %arg10[%get3A_34, %get3A_35] : memref<1x128xf32, #tpu.memory_space<vmem>>, vector<1x128xf32>
    %mul3A_37 = vector.broadcast %get3A_36 : vector<1x128xf32> to vector<1000x128xf32>
    %mul3A_38 = arith.mulf %mul3A_37, %dot_general3A_33 : vector<1000x128xf32>
    %get3A_39 = arith.constant 0 : index
    %get3A_40 = arith.constant 0 : index
    %get3A_41 = vector.load %arg8[%get3A_39, %get3A_40] : memref<128x128xf32, #tpu.memory_space<vmem>>, vector<128x128xf32>
    %dot_general3A_42 = arith.constant dense<0.000000e+00> : vector<1000x128xf32>
    %dot_general3A_43 = tpu.matmul %mul3A_38, %get3A_41, %dot_general3A_42 {dimension_numbers = #tpu.dot_dimension_numbers<[1], [0], [0], [1], [0, 0, 1, 1], [], []>, transpose_lhs_hint = false} : vector<1000x128xf32>, vector<128x128xf32>, vector<1000x128xf32> -> vector<1000x128xf32>
    %add3A_44 = arith.addf %dot_general3A_43, %div3A_17 : vector<1000x128xf32>
    %get3A_45 = arith.constant 0 : index
    %get3A_46 = arith.constant 0 : index
    %get3A_47 = vector.load %arg5[%get3A_45, %get3A_46] : memref<128x128xf32, #tpu.memory_space<vmem>>, vector<128x128xf32>
    %dot_general3A_48 = arith.constant dense<0.000000e+00> : vector<1000x128xf32>
    %dot_general3A_49 = tpu.matmul %add3A, %get3A_47, %dot_general3A_48 {dimension_numbers = #tpu.dot_dimension_numbers<[1], [0], [0], [1], [0, 0, 1, 1], [], []>, transpose_lhs_hint = false} : vector<1000x128xf32>, vector<128x128xf32>, vector<1000x128xf32> -> vector<1000x128xf32>
    %mul3A_50 = arith.mulf %dot_general3A_49, %dot_general3A_49 : vector<1000x128xf32>
    %reduce_sum3A_51 = arith.constant dense<0.000000e+00> : vector<1000xf32>
    %reduce_sum3A_52 = vector.multi_reduction <add>, %mul3A_50, %reduce_sum3A_51 [1] : vector<1000x128xf32> to vector<1000xf32>
    %broadcast_in_dim3A_53 = vector.shape_cast %reduce_sum3A_52 : vector<1000xf32> to vector<1000x1xf32>
    %sqrt3A_54 = math.sqrt %broadcast_in_dim3A_53 : vector<1000x1xf32>
    %add3A_55 = arith.constant 9.99999997E-7 : f32
    %add3A_56 = vector.broadcast %add3A_55 : f32 to vector<1000x1xf32>
    %add3A_57 = arith.addf %sqrt3A_54, %add3A_56 : vector<1000x1xf32>
    %div3A_58 = vector.broadcast %add3A_57 : vector<1000x1xf32> to vector<1000x128xf32>
    %div3A_59 = arith.divf %dot_general3A_49, %div3A_58 : vector<1000x128xf32>
    %get3A_60 = arith.constant 0 : index
    %get3A_61 = arith.constant 0 : index
    %get3A_62 = arith.constant 0 : index
    %get3A_63 = vector.load %arg3[%get3A_60, %get3A_61, %get3A_62] : memref<2x1000x128xf32, #tpu.memory_space<vmem>>, vector<1x1000x128xf32>
    %get3A_64 = vector.shape_cast %get3A_63 : vector<1x1000x128xf32> to vector<1000x128xf32>
    %get3A_65 = arith.constant 1 : index
    %get3A_66 = arith.constant 0 : index
    %get3A_67 = arith.constant 0 : index
    %get3A_68 = vector.load %arg3[%get3A_65, %get3A_66, %get3A_67] : memref<2x1000x128xf32, #tpu.memory_space<vmem>>, vector<1x1000x128xf32>
    %get3A_69 = vector.shape_cast %get3A_68 : vector<1x1000x128xf32> to vector<1000x128xf32>
    %add3A_70 = arith.addf %get3A_64, %get3A_69 : vector<1000x128xf32>
    %get3A_71 = arith.constant 0 : index
    %get3A_72 = arith.constant 0 : index
    %get3A_73 = vector.load %arg7[%get3A_71, %get3A_72] : memref<128x128xf32, #tpu.memory_space<vmem>>, vector<128x128xf32>
    %dot_general3A_74 = arith.constant dense<0.000000e+00> : vector<1000x128xf32>
    %dot_general3A_75 = tpu.matmul %add3A_70, %get3A_73, %dot_general3A_74 {dimension_numbers = #tpu.dot_dimension_numbers<[1], [0], [0], [1], [0, 0, 1, 1], [], []>, transpose_lhs_hint = false} : vector<1000x128xf32>, vector<128x128xf32>, vector<1000x128xf32> -> vector<1000x128xf32>
    %get3A_76 = arith.constant 0 : index
    %get3A_77 = arith.constant 0 : index
    %get3A_78 = vector.load %arg11[%get3A_76, %get3A_77] : memref<1x128xf32, #tpu.memory_space<vmem>>, vector<1x128xf32>
    %mul3A_79 = vector.broadcast %get3A_78 : vector<1x128xf32> to vector<1000x128xf32>
    %mul3A_80 = arith.mulf %mul3A_79, %dot_general3A_75 : vector<1000x128xf32>
    %get3A_81 = arith.constant 0 : index
    %get3A_82 = arith.constant 0 : index
    %get3A_83 = vector.load %arg9[%get3A_81, %get3A_82] : memref<128x128xf32, #tpu.memory_space<vmem>>, vector<128x128xf32>
    %dot_general3A_84 = arith.constant dense<0.000000e+00> : vector<1000x128xf32>
    %dot_general3A_85 = tpu.matmul %mul3A_80, %get3A_83, %dot_general3A_84 {dimension_numbers = #tpu.dot_dimension_numbers<[1], [0], [0], [1], [0, 0, 1, 1], [], []>, transpose_lhs_hint = false} : vector<1000x128xf32>, vector<128x128xf32>, vector<1000x128xf32> -> vector<1000x128xf32>
    %add3A_86 = arith.addf %dot_general3A_85, %div3A_59 : vector<1000x128xf32>
    %concatenate3A = tpu.concatenate %add3A_44, %add3A in 1 : vector<1000x128xf32>, vector<1000x128xf32> -> vector<1000x256xf32>
    %concatenate3A_87 = tpu.concatenate %add3A_86, %add3A in 1 : vector<1000x128xf32>, vector<1000x128xf32> -> vector<1000x256xf32>
    %get3A_88 = arith.constant 0 : index
    %get3A_89 = arith.constant 0 : index
    %get3A_90 = vector.load %arg12[%get3A_88, %get3A_89] : memref<256x256xf32, #tpu.memory_space<vmem>>, vector<256x256xf32>
    %get3A_91 = arith.constant 0 : index
    %get3A_92 = arith.constant 0 : index
    %get3A_93 = vector.load %arg13[%get3A_91, %get3A_92] : memref<1x256xf32, #tpu.memory_space<vmem>>, vector<1x256xf32>
    %dot_general3A_94 = arith.constant dense<0.000000e+00> : vector<1000x256xf32>
    %dot_general3A_95 = tpu.matmul %concatenate3A, %get3A_90, %dot_general3A_94 {dimension_numbers = #tpu.dot_dimension_numbers<[1], [0], [0], [1], [0, 0, 1, 1], [], []>, transpose_lhs_hint = false} : vector<1000x256xf32>, vector<256x256xf32>, vector<1000x256xf32> -> vector<1000x256xf32>
    %tanh3A = math.tanh %dot_general3A_95 : vector<1000x256xf32>
    %mul3A_96 = vector.broadcast %get3A_93 : vector<1x256xf32> to vector<1000x256xf32>
    %mul3A_97 = arith.mulf %tanh3A, %mul3A_96 : vector<1000x256xf32>
    %reduce_sum3A_98 = arith.constant dense<0.000000e+00> : vector<1000xf32>
    %reduce_sum3A_99 = vector.multi_reduction <add>, %mul3A_97, %reduce_sum3A_98 [1] : vector<1000x256xf32> to vector<1000xf32>
    %broadcast_in_dim3A_100 = vector.shape_cast %reduce_sum3A_99 : vector<1000xf32> to vector<1000x1xf32>
    %dot_general3A_101 = arith.constant dense<0.000000e+00> : vector<1000x256xf32>
    %dot_general3A_102 = tpu.matmul %concatenate3A_87, %get3A_90, %dot_general3A_101 {dimension_numbers = #tpu.dot_dimension_numbers<[1], [0], [0], [1], [0, 0, 1, 1], [], []>, transpose_lhs_hint = false} : vector<1000x256xf32>, vector<256x256xf32>, vector<1000x256xf32> -> vector<1000x256xf32>
    %tanh3A_103 = math.tanh %dot_general3A_102 : vector<1000x256xf32>
    %mul3A_104 = vector.broadcast %get3A_93 : vector<1x256xf32> to vector<1000x256xf32>
    %mul3A_105 = arith.mulf %tanh3A_103, %mul3A_104 : vector<1000x256xf32>
    %reduce_sum3A_106 = arith.constant dense<0.000000e+00> : vector<1000xf32>
    %reduce_sum3A_107 = vector.multi_reduction <add>, %mul3A_105, %reduce_sum3A_106 [1] : vector<1000x256xf32> to vector<1000xf32>
    %broadcast_in_dim3A_108 = vector.shape_cast %reduce_sum3A_107 : vector<1000xf32> to vector<1000x1xf32>
    %max3A = arith.maximumf %broadcast_in_dim3A_100, %broadcast_in_dim3A_108 : vector<1000x1xf32>
    %sub3A = arith.subf %broadcast_in_dim3A_100, %max3A : vector<1000x1xf32>
    %exp3A = math.exp %sub3A : vector<1000x1xf32>
    %sub3A_109 = arith.subf %broadcast_in_dim3A_108, %max3A : vector<1000x1xf32>
    %exp3A_110 = math.exp %sub3A_109 : vector<1000x1xf32>
    %add3A_111 = arith.addf %exp3A, %exp3A_110 : vector<1000x1xf32>
    %div3A_112 = arith.divf %exp3A, %add3A_111 : vector<1000x1xf32>
    %div3A_113 = arith.divf %exp3A_110, %add3A_111 : vector<1000x1xf32>
    %mul3A_114 = vector.broadcast %div3A_112 : vector<1000x1xf32> to vector<1000x256xf32>
    %mul3A_115 = arith.mulf %mul3A_114, %concatenate3A : vector<1000x256xf32>
    %mul3A_116 = vector.broadcast %div3A_113 : vector<1000x1xf32> to vector<1000x256xf32>
    %mul3A_117 = arith.mulf %mul3A_116, %concatenate3A_87 : vector<1000x256xf32>
    %add3A_118 = arith.addf %mul3A_115, %mul3A_117 : vector<1000x256xf32>
    %swap3A = arith.constant 0 : index
    %swap3A_119 = arith.constant 0 : index
    %swap3A_120 = vector.load %arg14[%swap3A, %swap3A_119] : memref<1000x256xf32, #tpu.memory_space<vmem>>, vector<1000x256xf32>
    tpu.vector_store %arg14[%swap3A, %swap3A_119], %concatenate3A {strides = array<i32>} : memref<1000x256xf32, #tpu.memory_space<vmem>>, vector<1000x256xf32>,
    %swap3A_121 = arith.constant 0 : index
    %swap3A_122 = arith.constant 0 : index
    %swap3A_123 = vector.load %arg15[%swap3A_121, %swap3A_122] : memref<1000x256xf32, #tpu.memory_space<vmem>>, vector<1000x256xf32>
    tpu.vector_store %arg15[%swap3A_121, %swap3A_122], %concatenate3A_87 {strides = array<i32>} : memref<1000x256xf32, #tpu.memory_space<vmem>>, vector<1000x256xf32>,
    %swap3A_124 = arith.constant 0 : index
    %swap3A_125 = arith.constant 0 : index
    %swap3A_126 = vector.load %arg16[%swap3A_124, %swap3A_125] : memref<1000x256xf32, #tpu.memory_space<vmem>>, vector<1000x256xf32>
    tpu.vector_store %arg16[%swap3A_124, %swap3A_125], %add3A_118 {strides = array<i32>} : memref<1000x256xf32, #tpu.memory_space<vmem>>, vector<1000x256xf32>,
    %slice3A = vector.extract_strided_slice %add3A_118 {offsets = [0, 0], sizes = [1000, 128], strides = [1, 1]} : vector<1000x256xf32> to vector<1000x128xf32>
    %swap3A_127 = arith.constant 0 : index
    %swap3A_128 = arith.constant 0 : index
    %swap3A_129 = arith.constant 0 : index
    %swap3A_130 = vector.load %arg17[%swap3A_127, %swap3A_128, %swap3A_129] : memref<2x1000x128xf32, #tpu.memory_space<vmem>>, vector<1x1000x128xf32>
    %swap3A_131 = vector.shape_cast %swap3A_130 : vector<1x1000x128xf32> to vector<1000x128xf32>
    %swap3A_132 = vector.shape_cast %slice3A : vector<1000x128xf32> to vector<1x1000x128xf32>
    tpu.vector_store %arg17[%swap3A_127, %swap3A_128, %swap3A_129], %swap3A_132 {strides = array<i32>} : memref<2x1000x128xf32, #tpu.memory_space<vmem>>, vector<1x1000x128xf32>,
    %slice3A_133 = vector.extract_strided_slice %add3A_118 {offsets = [0, 128], sizes = [1000, 128], strides = [1, 1]} : vector<1000x256xf32> to vector<1000x128xf32>
    %swap3A_134 = arith.constant 1 : index
    %swap3A_135 = arith.constant 0 : index
    %swap3A_136 = arith.constant 0 : index
    %swap3A_137 = vector.load %arg17[%swap3A_134, %swap3A_135, %swap3A_136] : memref<2x1000x128xf32, #tpu.memory_space<vmem>>, vector<1x1000x128xf32>
    %swap3A_138 = vector.shape_cast %swap3A_137 : vector<1x1000x128xf32> to vector<1000x128xf32>
    %swap3A_139 = vector.shape_cast %slice3A_133 : vector<1000x128xf32> to vector<1x1000x128xf32>
    tpu.vector_store %arg17[%swap3A_134, %swap3A_135, %swap3A_136], %swap3A_139 {strides = array<i32>} : memref<2x1000x128xf32, #tpu.memory_space<vmem>>, vector<1x1000x128xf32>,
    %concatenate3A_140 = tpu.concatenate %div3A_112, %div3A_113 in 1 : vector<1000x1xf32>, vector<1000x1xf32> -> vector<1000x2xf32>
    %swap3A_141 = arith.constant 0 : index
    %swap3A_142 = arith.constant 0 : index
    %swap3A_143 = vector.load %arg18[%swap3A_141, %swap3A_142] : memref<1000x2xf32, #tpu.memory_space<vmem>>, vector<1000x2xf32>
    tpu.vector_store %arg18[%swap3A_141, %swap3A_142], %concatenate3A_140 {strides = array<i32>} : memref<1000x2xf32, #tpu.memory_space<vmem>>, vector<1000x2xf32>,
    return
  }
  func.func @transform_0(%arg0: i32) -> (i32, i32, i32) {
    %c0_i32 = arith.constant 0 : i32
    %c0_i32_0 = arith.constant 0 : i32
    %c0_i32_1 = arith.constant 0 : i32
    return %c0_i32, %arg0, %c0_i32_0 : i32, i32, i32
  }
  func.func @transform_1(%arg0: i32) -> (i32, i32, i32) {
    %c0_i32 = arith.constant 0 : i32
    %c0_i32_0 = arith.constant 0 : i32
    %c0_i32_1 = arith.constant 0 : i32
    return %c0_i32, %arg0, %c0_i32_0 : i32, i32, i32
  }
  func.func @transform_2(%arg0: i32) -> (i32, i32, i32) {
    %c0_i32 = arith.constant 0 : i32
    %c0_i32_0 = arith.constant 0 : i32
    %c0_i32_1 = arith.constant 0 : i32
    return %c0_i32, %arg0, %c0_i32_0 : i32, i32, i32
  }
  func.func @transform_3(%arg0: i32) -> (i32, i32) {
    %c0_i32 = arith.constant 0 : i32
    %c0_i32_0 = arith.constant 0 : i32
    %c0_i32_1 = arith.constant 0 : i32
    return %c0_i32, %c0_i32_0 : i32, i32
  }
  func.func @transform_4(%arg0: i32) -> (i32, i32) {
    %c0_i32 = arith.constant 0 : i32
    %c0_i32_0 = arith.constant 0 : i32
    %c0_i32_1 = arith.constant 0 : i32
    return %c0_i32, %c0_i32_0 : i32, i32
  }
  func.func @transform_5(%arg0: i32) -> (i32, i32) {
    %c0_i32 = arith.constant 0 : i32
    %c0_i32_0 = arith.constant 0 : i32
    %c0_i32_1 = arith.constant 0 : i32
    return %c0_i32, %c0_i32_0 : i32, i32
  }
  func.func @transform_6(%arg0: i32) -> (i32, i32) {
    %c0_i32 = arith.constant 0 : i32
    %c0_i32_0 = arith.constant 0 : i32
    %c0_i32_1 = arith.constant 0 : i32
    return %c0_i32, %c0_i32_0 : i32, i32
  }
  func.func @transform_7(%arg0: i32) -> (i32, i32) {
    %c0_i32 = arith.constant 0 : i32
    %c0_i32_0 = arith.constant 0 : i32
    %c0_i32_1 = arith.constant 0 : i32
    return %c0_i32, %c0_i32_0 : i32, i32
  }
  func.func @transform_8(%arg0: i32) -> (i32, i32) {
    %c0_i32 = arith.constant 0 : i32
    %c0_i32_0 = arith.constant 0 : i32
    %c0_i32_1 = arith.constant 0 : i32
    return %c0_i32, %c0_i32_0 : i32, i32
  }
  func.func @transform_9(%arg0: i32) -> (i32, i32) {
    %c0_i32 = arith.constant 0 : i32
    %c0_i32_0 = arith.constant 0 : i32
    %c0_i32_1 = arith.constant 0 : i32
    return %c0_i32, %c0_i32_0 : i32, i32
  }
  func.func @transform_10(%arg0: i32) -> (i32, i32) {
    %c0_i32 = arith.constant 0 : i32
    %c0_i32_0 = arith.constant 0 : i32
    %c0_i32_1 = arith.constant 0 : i32
    return %c0_i32, %c0_i32_0 : i32, i32
  }
  func.func @transform_11(%arg0: i32) -> (i32, i32) {
    %c0_i32 = arith.constant 0 : i32
    %c0_i32_0 = arith.constant 0 : i32
    %c0_i32_1 = arith.constant 0 : i32
    return %c0_i32, %c0_i32_0 : i32, i32
  }
  func.func @transform_12(%arg0: i32) -> (i32, i32) {
    %c0_i32 = arith.constant 0 : i32
    %c0_i32_0 = arith.constant 0 : i32
    %c0_i32_1 = arith.constant 0 : i32
    return %c0_i32, %c0_i32_0 : i32, i32
  }
  func.func @transform_13(%arg0: i32) -> (i32, i32) {
    %c0_i32 = arith.constant 0 : i32
    %c0_i32_0 = arith.constant 0 : i32
    return %arg0, %c0_i32 : i32, i32
  }
  func.func @transform_14(%arg0: i32) -> (i32, i32) {
    %c0_i32 = arith.constant 0 : i32
    %c0_i32_0 = arith.constant 0 : i32
    return %arg0, %c0_i32 : i32, i32
  }
  func.func @transform_15(%arg0: i32) -> (i32, i32) {
    %c0_i32 = arith.constant 0 : i32
    %c0_i32_0 = arith.constant 0 : i32
    return %arg0, %c0_i32 : i32, i32
  }
  func.func @transform_16(%arg0: i32) -> (i32, i32, i32) {
    %c0_i32 = arith.constant 0 : i32
    %c0_i32_0 = arith.constant 0 : i32
    %c0_i32_1 = arith.constant 0 : i32
    return %c0_i32, %arg0, %c0_i32_0 : i32, i32, i32
  }
  func.func @transform_17(%arg0: i32) -> (i32, i32) {
    %c0_i32 = arith.constant 0 : i32
    %c0_i32_0 = arith.constant 0 : i32
    return %arg0, %c0_i32 : i32, i32
  }
}

module attributes {stable_mosaic.version = 14 : i64} {
  func.func @body(%arg0: i32, %arg1: memref<2x1000x128xf32, #tpu.memory_space<vmem>>, %arg2: memref<128x128xf32, #tpu.memory_space<vmem>>, %arg3: memref<128x128xf32, #tpu.memory_space<vmem>>, %arg4: memref<128x128xf32, #tpu.memory_space<vmem>>, %arg5: memref<128x128xf32, #tpu.memory_space<vmem>>, %arg6: memref<1000x128xf32, #tpu.memory_space<vmem>>, %arg7: memref<1000x128xf32, #tpu.memory_space<vmem>>) attributes {dimension_semantics = [#tpu.dimension_semantics<arbitrary>], iteration_bounds = array<i64: 10>, scalar_prefetch = 0 : i64, scratch_operands = 0 : i64, tpu.core_type = #tpu.core_type<tc>, window_params = [{transform_indices = @transform_0, window_bounds = array<i64: 2, 1000, 128>}, {pipeline_mode = #tpu.pipeline_mode<synchronous>, transform_indices = @transform_1, window_bounds = array<i64: 128, 128>}, {pipeline_mode = #tpu.pipeline_mode<synchronous>, transform_indices = @transform_2, window_bounds = array<i64: 128, 128>}, {pipeline_mode = #tpu.pipeline_mode<synchronous>, transform_indices = @transform_3, window_bounds = array<i64: 128, 128>}, {pipeline_mode = #tpu.pipeline_mode<synchronous>, transform_indices = @transform_4, window_bounds = array<i64: 128, 128>}, {transform_indices = @transform_5, window_bounds = array<i64: 1000, 128>}, {transform_indices = @transform_6, window_bounds = array<i64: 1000, 128>}]} {
    %get3A = arith.constant 0 : index
    %get3A_0 = arith.constant 0 : index
    %get3A_1 = arith.constant 0 : index
    %get3A_2 = vector.load %arg1[%get3A, %get3A_0, %get3A_1] : memref<2x1000x128xf32, #tpu.memory_space<vmem>>, vector<1x1000x128xf32>
    %get3A_3 = vector.shape_cast %get3A_2 : vector<1x1000x128xf32> to vector<1000x128xf32>
    %get3A_4 = arith.constant 1 : index
    %get3A_5 = arith.constant 0 : index
    %get3A_6 = arith.constant 0 : index
    %get3A_7 = vector.load %arg1[%get3A_4, %get3A_5, %get3A_6] : memref<2x1000x128xf32, #tpu.memory_space<vmem>>, vector<1x1000x128xf32>
    %get3A_8 = vector.shape_cast %get3A_7 : vector<1x1000x128xf32> to vector<1000x128xf32>
    %get3A_9 = arith.constant 0 : index
    %get3A_10 = arith.constant 0 : index
    %get3A_11 = vector.load %arg2[%get3A_9, %get3A_10] : memref<128x128xf32, #tpu.memory_space<vmem>>, vector<128x128xf32>
    %dot_general3A = arith.constant dense<0.000000e+00> : vector<1000x128xf32>
    %dot_general3A_12 = tpu.matmul %get3A_3, %get3A_11, %dot_general3A {dimension_numbers = #tpu.dot_dimension_numbers<[1], [0], [0], [1], [0, 0, 1, 1], [], []>, transpose_lhs_hint = false} : vector<1000x128xf32>, vector<128x128xf32>, vector<1000x128xf32> -> vector<1000x128xf32>
    %get3A_13 = arith.constant 0 : index
    %get3A_14 = arith.constant 0 : index
    %get3A_15 = vector.load %arg3[%get3A_13, %get3A_14] : memref<128x128xf32, #tpu.memory_space<vmem>>, vector<128x128xf32>
    %dot_general3A_16 = arith.constant dense<0.000000e+00> : vector<1000x128xf32>
    %dot_general3A_17 = tpu.matmul %get3A_8, %get3A_15, %dot_general3A_16 {dimension_numbers = #tpu.dot_dimension_numbers<[1], [0], [0], [1], [0, 0, 1, 1], [], []>, transpose_lhs_hint = false} : vector<1000x128xf32>, vector<128x128xf32>, vector<1000x128xf32> -> vector<1000x128xf32>
    %add3A = arith.addf %dot_general3A_12, %dot_general3A_17 : vector<1000x128xf32>
    %swap3A = arith.constant 0 : index
    %swap3A_18 = arith.constant 0 : index
    %swap3A_19 = vector.load %arg6[%swap3A, %swap3A_18] : memref<1000x128xf32, #tpu.memory_space<vmem>>, vector<1000x128xf32>
    tpu.vector_store %arg6[%swap3A, %swap3A_18], %add3A {strides = array<i32>} : memref<1000x128xf32, #tpu.memory_space<vmem>>, vector<1000x128xf32>,
    %get3A_20 = arith.constant 0 : index
    %get3A_21 = arith.constant 0 : index
    %get3A_22 = vector.load %arg4[%get3A_20, %get3A_21] : memref<128x128xf32, #tpu.memory_space<vmem>>, vector<128x128xf32>
    %dot_general3A_23 = arith.constant dense<0.000000e+00> : vector<1000x128xf32>
    %dot_general3A_24 = tpu.matmul %get3A_3, %get3A_22, %dot_general3A_23 {dimension_numbers = #tpu.dot_dimension_numbers<[1], [0], [0], [1], [0, 0, 1, 1], [], []>, transpose_lhs_hint = false} : vector<1000x128xf32>, vector<128x128xf32>, vector<1000x128xf32> -> vector<1000x128xf32>
    %get3A_25 = arith.constant 0 : index
    %get3A_26 = arith.constant 0 : index
    %get3A_27 = vector.load %arg5[%get3A_25, %get3A_26] : memref<128x128xf32, #tpu.memory_space<vmem>>, vector<128x128xf32>
    %dot_general3A_28 = arith.constant dense<0.000000e+00> : vector<1000x128xf32>
    %dot_general3A_29 = tpu.matmul %get3A_8, %get3A_27, %dot_general3A_28 {dimension_numbers = #tpu.dot_dimension_numbers<[1], [0], [0], [1], [0, 0, 1, 1], [], []>, transpose_lhs_hint = false} : vector<1000x128xf32>, vector<128x128xf32>, vector<1000x128xf32> -> vector<1000x128xf32>
    %add3A_30 = arith.addf %dot_general3A_24, %dot_general3A_29 : vector<1000x128xf32>
    %swap3A_31 = arith.constant 0 : index
    %swap3A_32 = arith.constant 0 : index
    %swap3A_33 = vector.load %arg7[%swap3A_31, %swap3A_32] : memref<1000x128xf32, #tpu.memory_space<vmem>>, vector<1000x128xf32>
    tpu.vector_store %arg7[%swap3A_31, %swap3A_32], %add3A_30 {strides = array<i32>} : memref<1000x128xf32, #tpu.memory_space<vmem>>, vector<1000x128xf32>,
    return
  }
  func.func @transform_0(%arg0: i32) -> (i32, i32, i32) {
    %c0_i32 = arith.constant 0 : i32
    %c0_i32_0 = arith.constant 0 : i32
    %c0_i32_1 = arith.constant 0 : i32
    return %c0_i32, %arg0, %c0_i32_0 : i32, i32, i32
  }
  func.func @transform_1(%arg0: i32) -> (i32, i32) {
    %c0_i32 = arith.constant 0 : i32
    %c0_i32_0 = arith.constant 0 : i32
    %c0_i32_1 = arith.constant 0 : i32
    return %c0_i32, %c0_i32_0 : i32, i32
  }
  func.func @transform_2(%arg0: i32) -> (i32, i32) {
    %c0_i32 = arith.constant 0 : i32
    %c0_i32_0 = arith.constant 0 : i32
    %c0_i32_1 = arith.constant 0 : i32
    return %c0_i32, %c0_i32_0 : i32, i32
  }
  func.func @transform_3(%arg0: i32) -> (i32, i32) {
    %c0_i32 = arith.constant 0 : i32
    %c0_i32_0 = arith.constant 0 : i32
    %c0_i32_1 = arith.constant 0 : i32
    return %c0_i32, %c0_i32_0 : i32, i32
  }
  func.func @transform_4(%arg0: i32) -> (i32, i32) {
    %c0_i32 = arith.constant 0 : i32
    %c0_i32_0 = arith.constant 0 : i32
    %c0_i32_1 = arith.constant 0 : i32
    return %c0_i32, %c0_i32_0 : i32, i32
  }
  func.func @transform_5(%arg0: i32) -> (i32, i32) {
    %c0_i32 = arith.constant 0 : i32
    %c0_i32_0 = arith.constant 0 : i32
    return %arg0, %c0_i32 : i32, i32
  }
  func.func @transform_6(%arg0: i32) -> (i32, i32) {
    %c0_i32 = arith.constant 0 : i32
    %c0_i32_0 = arith.constant 0 : i32
    return %arg0, %c0_i32 : i32, i32
  }
}

</mosaic_0001>

<sc_bundles>
// kernel: kernel.11.cloned.1.call-start
scs
__scs_entry_jumppad:
0x0: {  	(pc) =	sbr.rel $0x88, $3  }
0x1: {  	(tag) =	ssettag $0x0;
	lr =	simm.s32 $0x1  }
0x2: {  	[smem:$0x3F8D] =	sst lr;
	_ =	strace $0xD0000000  }
0x3: {  	_ = 	snop  }
0x4: {  	_ = 	snop  }
0x5: {  	_ = 	snop  }
0x6: {  	_ = 	snop  }
0x7: {  	_ = 	snop  }
__scs_overlays_trampoline_lowered:
0x8: {  	[smem:$0x3F9C] =	sst s0  }
0x9: {  	[smem:$0x3F9D] =	sst s1  }
0xa: {  	[smem:$0x3F9E] =	sst s2  }
0xb: {  	[smem:$0x3F9F] =	sst s3  }
0xc: {  	[smem:$0x3FA0] =	sst s4  }
0xd: {  	[smem:$0x3FA1] =	sst s5  }
0xe: {  	[smem:$0x3FA2] =	sst s6  }
0xf: {  	[smem:$0x3FA3] =	sst s7  }
0x10: {  	[smem:$0x3FA4] =	sst s8  }
0x11: {  	[smem:$0x3FA5] =	sst s9;
	s0 =	simm.s32 @!p0 $0x0  }
0x12: {  	s1 =	sld [smem:$0x3F8B];
	s0 =	simm.s32 @p0 $0x1  }
0x13: {  	[smem:$0x3FA6] =	sst s0;
	s0 =	simm.s32 @!p1 $0x0  }
0x14: {  	s2 =	sld [smem:$0x3F8A];
	s0 =	simm.s32 @p1 $0x1  }
0x15: {  	[smem:$0x3FA7] =	sst s0;
	s0 =	simm.s32 @!p2 $0x0  }
0x16: {  	s3 =	sld [smem:$0x3FDB];
	s0 =	simm.s32 @p2 $0x1  }
0x17: {  	s4 =	simm.s32 $0x1BF5;
	[smem:$0x3FA9] =	sst s0  }
0x18: {  	s0 =	sld [smem:$0x3F8C];
	_ =	swait.ge [sflag:s4], $0x0  }
0x19: {  	s7 =	sld [smem:$0x3F8D]  }
0x1a: {  	s8 =	sadd.s32 $0xFFFFE003, lr  }
0x1b: {  	s9 =	sadd.s32 $0xFFFFFEF7, lr;
	s5 =	simm.s32 $0xFFFFFFFF;
	p2 =	slt.u32 s8, $0xFFFFF086  }
0x1c: {  	p1 =	slt.u32 s9, $0xF7A;
	s5 =	simm.s32 @!p2 $0x0  }
0x1d: {  	s5 =	simm.s32 @p1 $0x1;
	p0 =	seq.s32 s7, s2  }
0x1e: {  	s7 =	smul.u32 @!p0 $0xF7A, s2;
	p2 =	seq.s32 @!p0 s5, $0x0  }
0x1f: {  	s9 =	smul.u32 $0xF7A, s1;
	s8 =	simm.s32 @!p0 $0x1BF5;
	p2 =	por !p2, p0  }
0x20: {  	[sflag:s8] =	ssyncset.s32 @!p0 $0xFFFFF086;
	s6 =	sadd.s32 @!p0 s3, s7;
	s7 =	simm.s32 @!p0 $0x108  }
0x21: {  	s3 =	sadd.s32 s3, s9;
	s6 =	sadd.s32 @!p0 $0x88, s6;
	s7 =	simm.s32 @p2 $0x1082  }
0x22: {  	[simem:s7], [sflag:s8] =	dma.local @!p0 [hbm:s6], $0xF7A  }
0x23: {  	s9 =	sor.u32 $0xD0000000, s2;
	s6 =	simm.s32 $0x108;
	_ =	swait.ge @!p0 [sflag:s8], $0x0  }
0x24: {  	s3 =	sadd.s32 $0x88, s3;
	s6 =	simm.s32 @!p1 $0x1082;
	[sflag:s4] =	ssyncset.s32 $0xFFFFF086  }
0x25: {  	[simem:s6], [sflag:s4] =	dma.local [hbm:s3], $0xF7A  }
0x26: {  	[smem:$0x3F8D] =	sst s1;
	(tag) =	ssettag s2;
	_ =	strace s9  }
0x27: {  	s1 =	sld [smem:$0x3F9D]  }
0x28: {  	s2 =	sld [smem:$0x3F9E]  }
0x29: {  	s4 =	sld [smem:$0x3FA0]  }
0x2a: {  	p0 =	seq.s32 s5, $0x0;
	s5 =	sld [smem:$0x3FA1]  }
0x2b: {  	s6 =	sld [smem:$0x3FA2]  }
0x2c: {  	s7 =	sld [smem:$0x3FA3]  }
0x2d: {  	s3 =	simm.s32 $0x108;
	s8 =	sld [smem:$0x3FA4]  }
0x2e: {  	s3 =	simm.s32 @!p0 $0x1082;
	s9 =	sld [smem:$0x3FA5]  }
0x2f: {  	lr =	sadd.s32 s0, s3;
	s0 =	sld [smem:$0x3F9C]  }
0x30: {  	s3 =	sld [smem:$0x3F9F]  }
0x31: {  	[smem:$0x3FA8] =	sst s10  }
0x32: {  	s10 =	sld [smem:$0x3FA6];
	_ =	sdelay $0x3  }
0x33: {  	p0 =	seq.s32 s10, $0x1;
	s10 =	sld [smem:$0x3FA8];
	_ =	sdelay $0x3  }
0x34: {  	[smem:$0x3FA8] =	sst s10  }
0x35: {  	s10 =	sld [smem:$0x3FA7];
	_ =	sdelay $0x3  }
0x36: {  	p1 =	seq.s32 s10, $0x1;
	s10 =	sld [smem:$0x3FA8];
	_ =	sdelay $0x3  }
0x37: {  	[smem:$0x3FA8] =	sst s10  }
0x38: {  	s10 =	sld [smem:$0x3FA9]  }
0x39: {  	_ = 	snop;
	(pc) =	sbr.ind lr, $3  }
0x3a: {  	_ = 	snop  }
0x3b: {  	_ = 	snop  }
0x3c: {  	p2 =	seq.s32 s10, $0x1;
	s10 =	sld [smem:$0x3FA8]  }
0x3d: {  	_ =	shalt  }
0x3e: {  	_ =	shalt  }
0x3f: {  	_ =	shalt  }
0x40: {  	_ =	shalt  }
0x41: {  	_ =	shalt  }
0x42: {  	_ =	shalt  }
0x43: {  	_ =	shalt  }
0x44: {  	_ =	shalt  }
0x45: {  	_ =	shalt  }
0x46: {  	_ =	shalt  }
0x47: {  	_ =	shalt  }
0x48: {  	_ =	shalt  }
0x49: {  	_ =	shalt  }
0x4a: {  	_ =	shalt  }
0x4b: {  	_ =	shalt  }
0x4c: {  	_ =	shalt  }
0x4d: {  	_ =	shalt  }
0x4e: {  	_ =	shalt  }
0x4f: {  	_ =	shalt  }
0x50: {  	_ =	shalt  }
0x51: {  	_ =	shalt  }
0x52: {  	_ =	shalt  }
0x53: {  	_ =	shalt  }
0x54: {  	_ =	shalt  }
0x55: {  	_ =	shalt  }
0x56: {  	_ =	shalt  }
0x57: {  	_ =	shalt  }
0x58: {  	_ =	shalt  }
0x59: {  	_ =	shalt  }
0x5a: {  	_ =	shalt  }
0x5b: {  	_ =	shalt  }
0x5c: {  	_ =	shalt  }
0x5d: {  	_ =	shalt  }
0x5e: {  	_ =	shalt  }
0x5f: {  	_ =	shalt  }
0x60: {  	_ =	shalt  }
0x61: {  	_ =	shalt  }
0x62: {  	_ =	shalt  }
0x63: {  	_ =	shalt  }
0x64: {  	_ =	shalt  }
0x65: {  	_ =	shalt  }
0x66: {  	_ =	shalt  }
0x67: {  	_ =	shalt  }
0x68: {  	_ =	shalt  }
0x69: {  	_ =	shalt  }
0x6a: {  	_ =	shalt  }
0x6b: {  	_ =	shalt  }
0x6c: {  	_ =	shalt  }
0x6d: {  	_ =	shalt  }
0x6e: {  	_ =	shalt  }
0x6f: {  	_ =	shalt  }
0x70: {  	_ =	shalt  }
0x71: {  	_ =	shalt  }
0x72: {  	_ =	shalt  }
0x73: {  	_ =	shalt  }
0x74: {  	_ =	shalt  }
0x75: {  	_ =	shalt  }
0x76: {  	_ =	shalt  }
0x77: {  	_ =	shalt  }
0x78: {  	_ =	shalt  }
0x79: {  	_ =	shalt  }
0x7a: {  	_ =	shalt  }
0x7b: {  	_ =	shalt  }
0x7c: {  	_ =	shalt  }
0x7d: {  	_ =	shalt  }
0x7e: {  	_ =	shalt  }
0x7f: {  	_ =	shalt  }
0x80: {  	_ =	shalt  }
0x81: {  	_ =	shalt  }
0x82: {  	_ =	shalt  }
0x83: {  	_ =	shalt  }
0x84: {  	_ =	shalt  }
0x85: {  	_ =	shalt  }
0x86: {  	_ =	shalt  }
0x87: {  	_ =	shalt  }
.Lfunc_end0:
.L_simem_size_0:
called_computation.1_lowered:
.L_overlay_start_0:
0x88: {  	s2 =	sld [smem:$0x3FD9]  }
0x89: {  	s3 =	sld [smem:$0x3FFE];
	_ =	sdelay $0x1  }
0x8a: {  	s1 =	srdreg.scid  }
0x8b: {  	s0 =	sand.u32 $0x1, s1  }
0x8c: {  	s16 =	sshll.u32 s0, $0xA;
	s2 =	sadd.s32 s3, s2  }
0x8d: {  	s2 =	sadd.s32 s2, s16  }
0x8e: {  	[smem:$0x3FB4] =	sst s2  }
0x8f: {  	_ = 	snop  }
0x90: {  	(tm) =	ssettm $0x1  }
0x91: {  	s17 =	sld [smem:$0x3FFB];
	_ =	sdelay $0x3  }
0x92: {  	_ =	strace s17  }
0x93: {  	s2 =	sld [smem:$0x3FFC];
	_ =	sdelay $0x3  }
0x94: {  	_ =	strace s2  }
0x95: {  	s2 =	sld [smem:$0x3FFD];
	_ =	sdelay $0x3  }
0x96: {  	_ =	strace s2  }
0x97: {  	_ =	strace $0x8FFFFFFF  }
0x98: {  	s18 =	sld [smem:$0x3FDB];
	_ =	sdelay $0x1  }
0x99: {  	s19 =	simm.s32 $_scs_section_size  }
0x9a: {  	s4 =	simm.s32 $_size__tile_overlayer_lowered;
	s5 =	simm.s32 $_tile_overlayer_lowered  }
0x9b: {  	s22 =	simm.s32 $0x1BFF;
	s21 =	sshll.u32 s5, $0x1;
	s2 =	sadd.s32 s19, s18  }
0x9c: {  	s6 =	simm.s32 $0x0;
	s20 =	sshll.u32 s4, $0x1;
	s4 =	sadd.s32 s21, s2  }
0x9d: {  	[timem:s6], [sflag:s22] =	dma.local [hbm:s4], s20  }
0x9e: {  	_ =	swait.ge [sflag:s22], s20  }
0x9f: {  	s3 =	ssub.s32 $0x0, s20;
	[sflag:s22] =	ssyncset.done $0x0  }
0xa0: {  	[sflag:s22] =	ssyncadd.s32 s3;
	_ =	sdelay $0x1  }
0xa1: {  	s23 =	simm.s32 $0x1B8B  }
0xa2: {  	_ =	swait.ge [sflag:s23], $0x1  }
0xa3: {  	[sflag:s23] =	ssyncset.done $0x0  }
0xa4: {  	s25 =	simm.s32 $0x1B8E;
	s24 =	sld [smem:$0x3FFE];
	[sflag:s23] =	ssyncadd.s32 $0xFFFFFFFF  }
0xa5: {  	s26 =	simm.s32 $execute0_lowered;
	[smem:$0x3FD2] =	sst s25  }
0xa6: {  	s4 =	sshll.u32 s26, $0x1;
	_ =	strace $0x80000049;
	[dreg:$0x1] =	wrdreg $0xFFFFFFFF  }
0xa7: {  	s28 =	simm.s32 $_size_execute0_lowered;
	s2 =	sadd.s32 s2, s4;
	[dreg:$0x0] =	wrdreg $0x0  }
0xa8: {  	s4 =	sshll.u32 s28, $0x1;
	[dreg:$0x2] =	wrdreg s2  }
0xa9: {  	[dreg:$0x3] =	wrdreg s4  }
0xaa: {  	[dreg:$0x4] =	wrdreg $0xC0  }
0xab: {  	_ =	task [dreg:s6], $0x5FFFF  }
0xac: {  	[dreg:$0x1] =	wrdreg $0xFFFFFFFF  }
0xad: {  	[dreg:$0x0] =	wrdreg $0x60  }
0xae: {  	[dreg:$0x2] =	wrdreg s24  }
0xaf: {  	[dreg:$0x3] =	wrdreg $0x41000  }
0xb0: {  	[dreg:$0x4] =	wrdreg $0x9  }
0xb1: {  	_ =	task.clear_ibuf [dreg:s6], $0x5FFFF;
	_ =	strace $0x90000049  }
0xb2: {  	s29 =	simm.s32 $0x9;
	_ =	strace $0x8000004B  }
0xb3: {  	_ =	swait.ge [sflag:s29], $0x1  }
0xb4: {  	[sflag:s29] =	ssyncadd.s32 $0xFFFFFFFF  }
0xb5: {  	_ =	strace $0x9000004B  }
0xb6: {  	_ =	sfence  }
0xb7: {  	s30 =	sld [smem:$0x0];
	_ =	sdelay $0x2  }
0xb8: {  	s31 =	sshll.u32 s1, $0xD;
	s1 =	sshrl.u32 s1, $0x2  }
0xb9: {  	s3 =	sand.u32 $0x4000, s31;
	s1 =	sadd.s32 s1, s30  }
0xba: {  	s0 =	sor.u32 s3, s0;
	s1 =	sshll.u32 s1, $0x11  }
0xbb: {  	s0 =	sor.u32 s1, s0  }
0xbc: {  	s0 =	sadd.s32 $0x8F2B, s0  }
0xbd: {  	[sflag:s0] =	ssyncadd.remote.s32 $0x1  }
0xbe: {  	_ =	sfence.sel $0xFFFF  }
0xbf: {  	[dreg:$0x0] =	wrdreg $0xFFFFFFFF;
	(pc) =	sbr.abs _section_cstart, $3  }
0xc0: {  	[dreg:$0x1] =	wrdreg $0xFFFFFFFF  }
0xc1: {  	_ =	task.clear_ibuf [dreg:s6], $0x2FFFF;
	_ =	strace $0x9FFFFFFF  }
0xc2: {  	(tm) =	ssettm $0x7FFFFFFF  }
0xc3: {  	_ =	shalt  }
tec
execute0_lowered:
.L_overlay_start_1:
0x0: {  	(tag) =	ssettag $0x1  }
0x1: {  	s1 =	srdreg.scid;
	s6 =	rddreg [dreg:$0x0]  }
0x2: {  	s0 =	stileid.u32;
	s2 =	rddreg [dreg:$0x1]  }
0x3: {  	s3 =	simm.s32 $0x0;
	s16 =	simm.s32 $0x100;
	s4 =	smul.u32 $0x4F00, s0  }
0x4: {  	s17 =	simm.s32 $0x2;
	s18 =	simm.s32 $0x80;
	s8 =	smul.u32 $0x9E0, s0  }
0x5: {  	s19 =	simm.s32 $0x1;
	s23 =	simm.s32 $0x0;
	s9 =	smul.u32 $0x280, s0  }
0x6: {  	s7 =	sand.u32 $0x1, s1;
	s1 =	rddreg [dreg:$0x2];
	s11 =	smul.u32 $0x50000, s0  }
0x7: {  	[smem:$0x7FF] =	sst s3;
	s20 =	sshll.u32 s0, $0x6;
	s5 =	smul.u32 $0x4F000, s7  }
0x8: {  	p0 =	seq.s32 s0, $0xF;
	_ =	strace $0x8000004A;
	s10 =	smul.u32 $0x2710, s7  }
0x9: {  	s7 =	ssub.s32 $0x2, s7;
	s20 =	sor.u32 $0x1C02, s20;
	s15 =	sadd.s32 s8, s6  }
0xa: {  	s30 =	sshrl.u32 s11, $0x2;
	s31 =	sshrl.u32 s7, $0x1;
	s4 =	sadd.s32 s4, s5  }
0xb: {  	s29 =	sadd.s32 s9, s10;
	s13 =	ssub.s32 s7, s31;
	s5 =	sshrl.u32 s4, $0x3  }
0xc: {  	s4 =	sadd.s32 $0x2B000, s6;
	s8 =	sshll.u32 s29, $0x4;
	s14 =	sadd.s32 s5, s6  }
0xd: {  	s5 =	sadd.s32 $0x2A800, s6;
	s12 =	sadd.s32 s8, s6;
	s6 =	sadd.s32 s30, s2  }
0xe: {  	s15 =	sadd.s32 $0xCE00, s15;
	s13 =	smax.u32 s13, $0x1;
	s7 =	sadd.s32 $0x4000, s6  }
0xf: {  	s8 =	sadd.s32 $0x8000, s6;
	s9 =	sadd.s32 $0xC000, s6;
	s10 =	sadd.s32 $0x10000, s6  }
0x10: {  	s11 =	sadd.s32 $0x79200, s12;
	s22 =	sadd.s32 $0xC800, s6;
	s12 =	sadd.s32 $0x7AB00, s12  }
0x11: {  	s14 =	sadd.s32 $0x115600, s14;
	s21 =	sshrl.u32 s6, $0x3;
	s22 =	sshrl.u32 @!p0 s22, $0x3  }
.LBB2_1:
0x12: {  	[tilespmem:s16], [sflag:$0x2] =	stream.linear.gather [hbm4b:s5+s3], $0x4000, $0x38;
	[tilespmem:$0x18100] =	vst v63  }
0x13: {  	_ =	swait.ge [sflag:s17], $0x4000  }
0x14: {  	[sflag:s17] =	ssyncset.done $0x0  }
0x15: {  	[sflag:s17] =	ssyncadd.s32 $0xFFFFC000  }
0x16: {  	[spmem:s6] =	stream.linear.scatter [tilespmem:s16], [sflag:$0x2], $0x4000, $0x38;
	[tilespmem:$0x18100] =	vst v63  }
0x17: {  	_ =	swait.ge [sflag:s17], $0x4000  }
0x18: {  	[sflag:s17] =	ssyncset.done $0x0  }
0x19: {  	[sflag:s17] =	ssyncadd.s32 $0xFFFFC000  }
0x1a: {  	[spmem:s7] =	stream.linear.scatter [tilespmem:s16], [sflag:$0x2], $0x4000, $0x38;
	[tilespmem:$0x18100] =	vst v63  }
0x1b: {  	_ =	swait.ge [sflag:s17], $0x4000  }
0x1c: {  	[sflag:s17] =	ssyncset.done $0x0  }
0x1d: {  	[sflag:s17] =	ssyncadd.s32 $0xFFFFC000  }
0x1e: {  	[spmem:s8] =	stream.linear.scatter [tilespmem:s16], [sflag:$0x2], $0x4000, $0x38;
	[tilespmem:$0x18100] =	vst v63  }
0x1f: {  	_ =	swait.ge [sflag:s17], $0x4000  }
0x20: {  	[sflag:s17] =	ssyncset.done $0x0  }
0x21: {  	[sflag:s17] =	ssyncadd.s32 $0xFFFFC000  }
0x22: {  	[spmem:s9] =	stream.linear.scatter [tilespmem:s16], [sflag:$0x2], $0x4000, $0x38;
	[tilespmem:$0x18100] =	vst v63  }
0x23: {  	_ =	swait.ge [sflag:s17], $0x4000  }
0x24: {  	[sflag:s17] =	ssyncset.done $0x0  }
0x25: {  	[sflag:s17] =	ssyncadd.s32 $0xFFFFC000  }
0x26: {  	[spmem:s10] =	stream.linear.scatter [tilespmem:s16], [sflag:$0x2], $0x4000, $0x38;
	[tilespmem:$0x18100] =	vst v63  }
0x27: {  	_ =	swait.ge [sflag:s17], $0x4000  }
0x28: {  	[sflag:s17] =	ssyncset.done $0x0  }
0x29: {  	[sflag:s17] =	ssyncadd.s32 $0xFFFFC000  }
0x2a: {  	s24 =	sadd.s32 $0x0, s14;
	[bflag:$0x0] =	sbarrier.arrive $0xFFFF  }
0x2b: {  	[tilespmem:s3], [sflag:$0x2] =	stream.linear.gather [hbm4b:s24+s3], $0x80, $0x38;
	[tilespmem:$0x18100] =	vst v63  }
0x2c: {  	_ =	swait.ge [sflag:s17], $0x80  }
0x2d: {  	[sflag:s17] =	ssyncset.done $0x0  }
0x2e: {  	[sflag:s17] =	ssyncadd.s32 $0xFFFFFF80  }
0x2f: {  	[tilespmem:s16], [sflag:$0x1] =	stream.indirect.gather [hbm4b:s4+s18], $0x80, s3, s18, $0xb8;
	[tilespmem:$0x18100] =	vst v63  }
0x30: {  	_ =	swait.ge [sflag:s19], $0x4000  }
0x31: {  	[sflag:s19] =	ssyncset.done $0x0  }
0x32: {  	s31 =	sadd.s32 $0x0, s15;
	[sflag:s19] =	ssyncadd.s32 $0xFFFFC000  }
0x33: {  	[tilespmem:s18], [sflag:$0x2] =	stream.linear.gather [hbm4b:s31+s3], $0x80, $0x38;
	[tilespmem:$0x18100] =	vst v63  }
0x34: {  	_ =	swait.ge [sflag:s17], $0x80  }
0x35: {  	[sflag:s17] =	ssyncset.done $0x0  }
0x36: {  	[sflag:s17] =	ssyncadd.s32 $0xFFFFFF80  }
0x37: {  	[spmem:s2] =	stream.indirect.scatter.add.f32 [tilespmem:s16], [sflag:$0x2], $0x80, s18, s18, $0xb8;
	[tilespmem:$0x18100] =	vst v63  }
0x38: {  	_ =	swait.ge [sflag:s17], $0x4000  }
0x39: {  	s25 =	simm.s32 $0x20;
	s24 =	simm.s32 $0x10;
	[sflag:s17] =	ssyncset.done $0x0  }
.LBB2_2:
0x3a: {  	s26 =	sadd.s32 s24, s14  }
0x3b: {  	[sflag:s17] =	ssyncadd.s32 $0xFFFFC000;
	s28 =	smov.u32 s25;
	s29 =	sadd.s32 $0x10, s25  }
0x3c: {  	[tilespmem:s3], [sflag:$0x2] =	stream.linear.gather [hbm4b:s26+s3], $0x80, $0x38;
	[tilespmem:$0x18100] =	vst v63  }
0x3d: {  	p1 =	sne.s32 s25, $0x9D0;
	_ =	swait.ge [sflag:s17], $0x80  }
0x3e: {  	[sflag:s17] =	ssyncset.done $0x0  }
0x3f: {  	[sflag:s17] =	ssyncadd.s32 $0xFFFFFF80  }
0x40: {  	[tilespmem:s16], [sflag:$0x1] =	stream.indirect.gather [hbm4b:s4+s18], $0x80, s3, s18, $0xb8;
	[tilespmem:$0x18100] =	vst v63  }
0x41: {  	_ =	swait.ge [sflag:s19], $0x4000  }
0x42: {  	[sflag:s19] =	ssyncset.done $0x0  }
0x43: {  	s25 =	sadd.s32 s24, s15;
	s24 =	smov.u32 s28;
	[sflag:s19] =	ssyncadd.s32 $0xFFFFC000  }
0x44: {  	[tilespmem:s18], [sflag:$0x2] =	stream.linear.gather [hbm4b:s25+s3], $0x80, $0x38;
	[tilespmem:$0x18100] =	vst v63  }
0x45: {  	_ =	swait.ge [sflag:s17], $0x80  }
.Ltmp0:
0x46: {  	[sflag:s17] =	ssyncset.done $0x0;
	(pc) =	sbr.rel @p1 .LBB2_2-.Ltmp0, $4  }
0x47: {  	[sflag:s17] =	ssyncadd.s32 $0xFFFFFF80  }
0x48: {  	[spmem:s2] =	stream.indirect.scatter.add.f32 [tilespmem:s16], [sflag:$0x2], $0x80, s18, s18, $0xb8;
	[tilespmem:$0x18100] =	vst v63  }
0x49: {  	_ =	swait.ge [sflag:s17], $0x4000  }
0x4a: {  	s25 =	smov.u32 s29;
	[sflag:s17] =	ssyncset.done $0x0  }
0x4b: {  	s25 =	sadd.s32 s24, s14;
	[sflag:s17] =	ssyncadd.s32 $0xFFFFC000  }
0x4c: {  	[tilespmem:s3], [sflag:$0x2] =	stream.linear.gather [hbm4b:s25+s3], $0x80, $0x38;
	[tilespmem:$0x18100] =	vst v63  }
0x4d: {  	_ =	swait.ge [sflag:s17], $0x80  }
0x4e: {  	[sflag:s17] =	ssyncset.done $0x0  }
0x4f: {  	[sflag:s17] =	ssyncadd.s32 $0xFFFFFF80  }
0x50: {  	[tilespmem:s16], [sflag:$0x1] =	stream.indirect.gather [hbm4b:s4+s18], $0x80, s3, s18, $0xb8;
	[tilespmem:$0x18100] =	vst v63  }
0x51: {  	_ =	swait.ge [sflag:s19], $0x4000  }
0x52: {  	[sflag:s19] =	ssyncset.done $0x0  }
0x53: {  	s31 =	sadd.s32 s24, s15;
	[sflag:s19] =	ssyncadd.s32 $0xFFFFC000  }
0x54: {  	[tilespmem:s18], [sflag:$0x2] =	stream.linear.gather [hbm4b:s31+s3], $0x80, $0x38;
	[tilespmem:$0x18100] =	vst v63  }
0x55: {  	_ =	swait.ge [sflag:s17], $0x80  }
0x56: {  	[sflag:s17] =	ssyncset.done $0x0  }
0x57: {  	[sflag:s17] =	ssyncadd.s32 $0xFFFFFF80  }
0x58: {  	[spmem:s2] =	stream.indirect.scatter.add.f32 [tilespmem:s16], [sflag:$0x2], $0x80, s18, s18, $0xb8;
	[tilespmem:$0x18100] =	vst v63  }
0x59: {  	_ =	swait.ge [sflag:s17], $0x4000  }
0x5a: {  	[sflag:s17] =	ssyncset.done $0x0  }
0x5b: {  	[sflag:s17] =	ssyncadd.s32 $0xFFFFC000  }
0x5c: {  	[bflag:$0x0] =	sbarrier.arrive $0xFFFF  }
0x5d: {  	[hbm:s11], [sflag:s20] =	dma.local [spmem:s21], $0x1900  }
0x5e: {  	s23 =	sadd.s32 $0x1, s23;
	_ =	swait.ge [sflag:s17], $0x1900  }
0x5f: {  	p1 =	sne.s32 s23, s13;
	[sflag:s17] =	ssyncset.done $0x0  }
.Ltmp1:
0x60: {  	s24 =	simm.s32 @!p0 $0x2;
	[sflag:s17] =	ssyncadd.s32 $0xFFFFE700;
	(pc) =	sbr.rel @p1 .LBB2_1-.Ltmp1, $4  }
0x61: {  	[hbm:s12], [sflag:s20] =	dma.local @!p0 [spmem:s22], $0xF00  }
0x62: {  	_ =	swait.ge @!p0 [sflag:s24], $0xF00  }
0x63: {  	[sflag:s24] =	ssyncset.done @!p0 $0x0  }
0x64: {  	[sflag:s24] =	ssyncadd.s32 @!p0 $0xFFFFF100  }
0x65: {  	_ =	sfence.sel $0x180000  }
0x66: {  	[bflag:$0x0] =	sbarrier.arrive $0xFFFF  }
0x67: {  	p0 =	sne.s32 s0, $0x0;
	_ =	strace $0x9000004A  }
0x68: {  	s0 =	sadd.s32 @!p0 $0x100000, s1;
	[bflag:$0x2] =	sbarrier.arrive $0xFFFF  }
0x69: {  	[sflag:s0] =	ssyncadd.tile.s32 @!p0 $0x1;
	_ =	shalt  }
.Lfunc_end2:
_tile_overlayer_lowered:
.L_overlay_start_2:
0x6a: {  	(tag) =	ssettag $0x2  }
0x6b: {  	s0 =	rddreg [dreg:$0x0];
	s2 =	stileid.u32  }
0x6c: {  	s1 =	rddreg [dreg:$0x1];
	p0 =	sne.s32 s2, $0x0  }
0x6d: {  	s3 =	rddreg [dreg:$0x2];
	[bflag:$0x3] =	sbarrier.arrive $0xFFFF;
	s2 =	simm.s32 @!p0 $0x1C02  }
0x6e: {  	[timem:s3], [sflag:s2] =	dma.local @!p0 [hbm:s0], s1  }
0x6f: {  	s0 =	simm.s32 @!p0 $0x2  }
0x70: {  	_ =	swait.ge @!p0 [sflag:s0], s1  }
0x71: {  	s1 =	ssub.s32 @!p0 $0x0, s1;
	[sflag:s0] =	ssyncset.done @!p0 $0x0  }
0x72: {  	[sflag:s0] =	ssyncadd.s32 @!p0 s1  }
0x73: {  	[bflag:$0x3] =	sbarrier.arrive $0xFFFF  }
0x74: {  	_ =	shalt  }

// kernel: kernel.8.cloned.1.call-start
scs
__scs_entry_jumppad:
0x0: {  	(pc) =	sbr.rel $0x88, $3  }
0x1: {  	(tag) =	ssettag $0x0;
	lr =	simm.s32 $0x1  }
0x2: {  	[smem:$0x3F8D] =	sst lr;
	_ =	strace $0xD0000000  }
0x3: {  	_ = 	snop  }
0x4: {  	_ = 	snop  }
0x5: {  	_ = 	snop  }
0x6: {  	_ = 	snop  }
0x7: {  	_ = 	snop  }
__scs_overlays_trampoline_lowered:
0x8: {  	[smem:$0x3F9C] =	sst s0  }
0x9: {  	[smem:$0x3F9D] =	sst s1  }
0xa: {  	[smem:$0x3F9E] =	sst s2  }
0xb: {  	[smem:$0x3F9F] =	sst s3  }
0xc: {  	[smem:$0x3FA0] =	sst s4  }
0xd: {  	[smem:$0x3FA1] =	sst s5  }
0xe: {  	[smem:$0x3FA2] =	sst s6  }
0xf: {  	[smem:$0x3FA3] =	sst s7  }
0x10: {  	[smem:$0x3FA4] =	sst s8  }
0x11: {  	[smem:$0x3FA5] =	sst s9;
	s0 =	simm.s32 @!p0 $0x0  }
0x12: {  	s1 =	sld [smem:$0x3F8B];
	s0 =	simm.s32 @p0 $0x1  }
0x13: {  	[smem:$0x3FA6] =	sst s0;
	s0 =	simm.s32 @!p1 $0x0  }
0x14: {  	s2 =	sld [smem:$0x3F8A];
	s0 =	simm.s32 @p1 $0x1  }
0x15: {  	[smem:$0x3FA7] =	sst s0;
	s0 =	simm.s32 @!p2 $0x0  }
0x16: {  	s3 =	sld [smem:$0x3FDB];
	s0 =	simm.s32 @p2 $0x1  }
0x17: {  	s4 =	simm.s32 $0x1BF5;
	[smem:$0x3FA9] =	sst s0  }
0x18: {  	s0 =	sld [smem:$0x3F8C];
	_ =	swait.ge [sflag:s4], $0x0  }
0x19: {  	s7 =	sld [smem:$0x3F8D]  }
0x1a: {  	s8 =	sadd.s32 $0xFFFFE003, lr  }
0x1b: {  	s9 =	sadd.s32 $0xFFFFFEF7, lr;
	s5 =	simm.s32 $0xFFFFFFFF;
	p2 =	slt.u32 s8, $0xFFFFF086  }
0x1c: {  	p1 =	slt.u32 s9, $0xF7A;
	s5 =	simm.s32 @!p2 $0x0  }
0x1d: {  	s5 =	simm.s32 @p1 $0x1;
	p0 =	seq.s32 s7, s2  }
0x1e: {  	s7 =	smul.u32 @!p0 $0xF7A, s2;
	p2 =	seq.s32 @!p0 s5, $0x0  }
0x1f: {  	s9 =	smul.u32 $0xF7A, s1;
	s8 =	simm.s32 @!p0 $0x1BF5;
	p2 =	por !p2, p0  }
0x20: {  	[sflag:s8] =	ssyncset.s32 @!p0 $0xFFFFF086;
	s6 =	sadd.s32 @!p0 s3, s7;
	s7 =	simm.s32 @!p0 $0x108  }
0x21: {  	s3 =	sadd.s32 s3, s9;
	s6 =	sadd.s32 @!p0 $0x88, s6;
	s7 =	simm.s32 @p2 $0x1082  }
0x22: {  	[simem:s7], [sflag:s8] =	dma.local @!p0 [hbm:s6], $0xF7A  }
0x23: {  	s9 =	sor.u32 $0xD0000000, s2;
	s6 =	simm.s32 $0x108;
	_ =	swait.ge @!p0 [sflag:s8], $0x0  }
0x24: {  	s3 =	sadd.s32 $0x88, s3;
	s6 =	simm.s32 @!p1 $0x1082;
	[sflag:s4] =	ssyncset.s32 $0xFFFFF086  }
0x25: {  	[simem:s6], [sflag:s4] =	dma.local [hbm:s3], $0xF7A  }
0x26: {  	[smem:$0x3F8D] =	sst s1;
	(tag) =	ssettag s2;
	_ =	strace s9  }
0x27: {  	s1 =	sld [smem:$0x3F9D]  }
0x28: {  	s2 =	sld [smem:$0x3F9E]  }
0x29: {  	s4 =	sld [smem:$0x3FA0]  }
0x2a: {  	p0 =	seq.s32 s5, $0x0;
	s5 =	sld [smem:$0x3FA1]  }
0x2b: {  	s6 =	sld [smem:$0x3FA2]  }
0x2c: {  	s7 =	sld [smem:$0x3FA3]  }
0x2d: {  	s3 =	simm.s32 $0x108;
	s8 =	sld [smem:$0x3FA4]  }
0x2e: {  	s3 =	simm.s32 @!p0 $0x1082;
	s9 =	sld [smem:$0x3FA5]  }
0x2f: {  	lr =	sadd.s32 s0, s3;
	s0 =	sld [smem:$0x3F9C]  }
0x30: {  	s3 =	sld [smem:$0x3F9F]  }
0x31: {  	[smem:$0x3FA8] =	sst s10  }
0x32: {  	s10 =	sld [smem:$0x3FA6];
	_ =	sdelay $0x3  }
0x33: {  	p0 =	seq.s32 s10, $0x1;
	s10 =	sld [smem:$0x3FA8];
	_ =	sdelay $0x3  }
0x34: {  	[smem:$0x3FA8] =	sst s10  }
0x35: {  	s10 =	sld [smem:$0x3FA7];
	_ =	sdelay $0x3  }
0x36: {  	p1 =	seq.s32 s10, $0x1;
	s10 =	sld [smem:$0x3FA8];
	_ =	sdelay $0x3  }
0x37: {  	[smem:$0x3FA8] =	sst s10  }
0x38: {  	s10 =	sld [smem:$0x3FA9]  }
0x39: {  	_ = 	snop;
	(pc) =	sbr.ind lr, $3  }
0x3a: {  	_ = 	snop  }
0x3b: {  	_ = 	snop  }
0x3c: {  	p2 =	seq.s32 s10, $0x1;
	s10 =	sld [smem:$0x3FA8]  }
0x3d: {  	_ =	shalt  }
0x3e: {  	_ =	shalt  }
0x3f: {  	_ =	shalt  }
0x40: {  	_ =	shalt  }
0x41: {  	_ =	shalt  }
0x42: {  	_ =	shalt  }
0x43: {  	_ =	shalt  }
0x44: {  	_ =	shalt  }
0x45: {  	_ =	shalt  }
0x46: {  	_ =	shalt  }
0x47: {  	_ =	shalt  }
0x48: {  	_ =	shalt  }
0x49: {  	_ =	shalt  }
0x4a: {  	_ =	shalt  }
0x4b: {  	_ =	shalt  }
0x4c: {  	_ =	shalt  }
0x4d: {  	_ =	shalt  }
0x4e: {  	_ =	shalt  }
0x4f: {  	_ =	shalt  }
0x50: {  	_ =	shalt  }
0x51: {  	_ =	shalt  }
0x52: {  	_ =	shalt  }
0x53: {  	_ =	shalt  }
0x54: {  	_ =	shalt  }
0x55: {  	_ =	shalt  }
0x56: {  	_ =	shalt  }
0x57: {  	_ =	shalt  }
0x58: {  	_ =	shalt  }
0x59: {  	_ =	shalt  }
0x5a: {  	_ =	shalt  }
0x5b: {  	_ =	shalt  }
0x5c: {  	_ =	shalt  }
0x5d: {  	_ =	shalt  }
0x5e: {  	_ =	shalt  }
0x5f: {  	_ =	shalt  }
0x60: {  	_ =	shalt  }
0x61: {  	_ =	shalt  }
0x62: {  	_ =	shalt  }
0x63: {  	_ =	shalt  }
0x64: {  	_ =	shalt  }
0x65: {  	_ =	shalt  }
0x66: {  	_ =	shalt  }
0x67: {  	_ =	shalt  }
0x68: {  	_ =	shalt  }
0x69: {  	_ =	shalt  }
0x6a: {  	_ =	shalt  }
0x6b: {  	_ =	shalt  }
0x6c: {  	_ =	shalt  }
0x6d: {  	_ =	shalt  }
0x6e: {  	_ =	shalt  }
0x6f: {  	_ =	shalt  }
0x70: {  	_ =	shalt  }
0x71: {  	_ =	shalt  }
0x72: {  	_ =	shalt  }
0x73: {  	_ =	shalt  }
0x74: {  	_ =	shalt  }
0x75: {  	_ =	shalt  }
0x76: {  	_ =	shalt  }
0x77: {  	_ =	shalt  }
0x78: {  	_ =	shalt  }
0x79: {  	_ =	shalt  }
0x7a: {  	_ =	shalt  }
0x7b: {  	_ =	shalt  }
0x7c: {  	_ =	shalt  }
0x7d: {  	_ =	shalt  }
0x7e: {  	_ =	shalt  }
0x7f: {  	_ =	shalt  }
0x80: {  	_ =	shalt  }
0x81: {  	_ =	shalt  }
0x82: {  	_ =	shalt  }
0x83: {  	_ =	shalt  }
0x84: {  	_ =	shalt  }
0x85: {  	_ =	shalt  }
0x86: {  	_ =	shalt  }
0x87: {  	_ =	shalt  }
.Lfunc_end0:
.L_simem_size_0:
called_computation_lowered:
.L_overlay_start_0:
0x88: {  	s2 =	sld [smem:$0x3FD9]  }
0x89: {  	s3 =	sld [smem:$0x3FFE];
	_ =	sdelay $0x1  }
0x8a: {  	s1 =	srdreg.scid  }
0x8b: {  	s0 =	sand.u32 $0x1, s1  }
0x8c: {  	s14 =	sshll.u32 s0, $0xA;
	s2 =	sadd.s32 s3, s2  }
0x8d: {  	s2 =	sadd.s32 s2, s14  }
0x8e: {  	[smem:$0x3FB4] =	sst s2  }
0x8f: {  	_ = 	snop  }
0x90: {  	s2 =	sld [smem:$0x3FD0];
	_ =	sdelay $0x2  }
0x91: {  	s15 =	simm.s32 $0xA;
	s4 =	simm.s32 $0x10  }
0x92: {  	[smem:s4], [sflag:s15] =	dma.local [hbm:s2], $0x1  }
0x93: {  	_ =	swait.eq [sflag:s15], $0x1  }
0x94: {  	s16 =	sld [smem:$0x10]  }
0x95: {  	s17 =	sld [smem:$0x11]  }
0x96: {  	s5 =	sld [smem:$0x12];
	[sflag:s15] =	ssyncset.done $0x0  }
0x97: {  	s6 =	sld [smem:$0x13];
	[sflag:s15] =	ssyncadd.s32 $0xFFFFFFFF  }
0x98: {  	s18 =	sld [smem:$0x14];
	(tm) =	ssettm $0x1  }
0x99: {  	s7 =	sld [smem:$0x3FFB];
	_ =	sdelay $0x3  }
0x9a: {  	_ =	strace s7  }
0x9b: {  	s7 =	sld [smem:$0x3FFC];
	_ =	sdelay $0x3  }
0x9c: {  	_ =	strace s7  }
0x9d: {  	s7 =	sld [smem:$0x3FFD];
	_ =	sdelay $0x3  }
0x9e: {  	_ =	strace s7  }
0x9f: {  	_ =	strace $0x8FFFFFFF  }
0xa0: {  	s19 =	sld [smem:$0x3FDB];
	_ =	sdelay $0x1  }
0xa1: {  	s8 =	simm.s32 $_scs_section_size  }
0xa2: {  	s9 =	simm.s32 $_size__tile_overlayer_lowered;
	s10 =	simm.s32 $_tile_overlayer_lowered  }
0xa3: {  	s22 =	simm.s32 $0x1BFF;
	s21 =	sshll.u32 s10, $0x1;
	s7 =	sadd.s32 s8, s19  }
0xa4: {  	s11 =	simm.s32 $0x0;
	s20 =	sshll.u32 s9, $0x1;
	s9 =	sadd.s32 s21, s7  }
0xa5: {  	[timem:s11], [sflag:s22] =	dma.local [hbm:s9], s20  }
0xa6: {  	_ =	swait.ge [sflag:s22], s20  }
0xa7: {  	s8 =	ssub.s32 $0x0, s20;
	[sflag:s22] =	ssyncset.done $0x0  }
0xa8: {  	[sflag:s22] =	ssyncadd.s32 s8;
	_ =	sdelay $0x1  }
0xa9: {  	s23 =	simm.s32 $0x1B8B  }
0xaa: {  	_ =	swait.ge [sflag:s23], $0x1  }
0xab: {  	[sflag:s23] =	ssyncset.done $0x0  }
0xac: {  	s25 =	simm.s32 $0x1B8E;
	s24 =	sld [smem:$0x3FFE];
	[sflag:s23] =	ssyncadd.s32 $0xFFFFFFFF  }
0xad: {  	s26 =	simm.s32 $execute0_lowered;
	[smem:$0x3FD2] =	sst s25  }
0xae: {  	s9 =	sshll.u32 s26, $0x1;
	_ =	strace $0x80000046;
	[dreg:$0x1] =	wrdreg $0xFFFFFFFF  }
0xaf: {  	s28 =	simm.s32 $_size_execute0_lowered;
	s7 =	sadd.s32 s7, s9;
	[dreg:$0x0] =	wrdreg $0x0  }
0xb0: {  	s9 =	sshll.u32 s28, $0x1;
	[dreg:$0x2] =	wrdreg s7  }
0xb1: {  	[dreg:$0x3] =	wrdreg s9  }
0xb2: {  	[dreg:$0x4] =	wrdreg $0xC0  }
0xb3: {  	_ =	task [dreg:s11], $0x5FFFF  }
0xb4: {  	[dreg:$0x1] =	wrdreg $0xFFFFFFFF  }
0xb5: {  	[dreg:$0x0] =	wrdreg $0x60  }
0xb6: {  	[dreg:$0x2] =	wrdreg s18  }
0xb7: {  	[dreg:$0x3] =	wrdreg s6  }
0xb8: {  	[dreg:$0x4] =	wrdreg s5  }
0xb9: {  	[dreg:$0x5] =	wrdreg s17  }
0xba: {  	[dreg:$0x6] =	wrdreg s16  }
0xbb: {  	[dreg:$0x7] =	wrdreg s24  }
0xbc: {  	[dreg:$0x8] =	wrdreg $0x41000  }
0xbd: {  	[dreg:$0x9] =	wrdreg $0x9  }
0xbe: {  	_ =	task.clear_ibuf [dreg:s11], $0xAFFFF;
	_ =	strace $0x90000046  }
0xbf: {  	s29 =	simm.s32 $0x9;
	_ =	strace $0x80000048  }
0xc0: {  	_ =	swait.ge [sflag:s29], $0x1  }
0xc1: {  	[sflag:s29] =	ssyncadd.s32 $0xFFFFFFFF  }
0xc2: {  	_ =	strace $0x90000048  }
0xc3: {  	_ =	sfence  }
0xc4: {  	s30 =	sld [smem:$0x0];
	_ =	sdelay $0x2  }
0xc5: {  	s31 =	sshll.u32 s1, $0xD;
	s1 =	sshrl.u32 s1, $0x2  }
0xc6: {  	s3 =	sand.u32 $0x4000, s31;
	s1 =	sadd.s32 s1, s30  }
0xc7: {  	s0 =	sor.u32 s3, s0;
	s1 =	sshll.u32 s1, $0x11  }
0xc8: {  	s0 =	sor.u32 s1, s0  }
0xc9: {  	s0 =	sadd.s32 $0x8F2B, s0  }
0xca: {  	[sflag:s0] =	ssyncadd.remote.s32 $0x1  }
0xcb: {  	_ =	sfence.sel $0xFFFF  }
0xcc: {  	[dreg:$0x0] =	wrdreg $0xFFFFFFFF;
	(pc) =	sbr.abs _section_cstart, $3  }
0xcd: {  	[dreg:$0x1] =	wrdreg $0xFFFFFFFF  }
0xce: {  	_ =	task.clear_ibuf [dreg:s11], $0x2FFFF;
	_ =	strace $0x9FFFFFFF  }
0xcf: {  	(tm) =	ssettm $0x7FFFFFFF  }
tec
execute0_lowered:
.L_overlay_start_1:
0x0: {  	(tag) =	ssettag $0x1  }
0x1: {  	s0 =	rddreg [dreg:$0x0]  }
0x2: {  	s1 =	rddreg [dreg:$0x1]  }
0x3: {  	s2 =	rddreg [dreg:$0x2]  }
0x4: {  	s3 =	rddreg [dreg:$0x3]  }
0x5: {  	s4 =	rddreg [dreg:$0x4]  }
0x6: {  	s5 =	srdreg.scid;
	s13 =	rddreg [dreg:$0x5]  }
0x7: {  	s26 =	stileid.u32;
	s6 =	simm.s32 $0x0;
	s28 =	simm.s32 $0x100  }
0x8: {  	s29 =	simm.s32 $0x2;
	s30 =	simm.s32 $0x80;
	s9 =	smul.u32 $0x2780, s26  }
0x9: {  	s8 =	sand.u32 $0x1, s5;
	s5 =	rddreg [dreg:$0x6];
	s19 =	smul.u32 $0x50000, s26  }
0xa: {  	s31 =	simm.s32 $0x1;
	[smem:$0x7FF] =	sst s6;
	s10 =	smul.u32 $0x280, s26  }
0xb: {  	s16 =	sadd.s32 $0x2B000, s13;
	p0 =	seq.s32 s26, $0xF;
	s7 =	smul.u32 $0x27800, s8  }
0xc: {  	_ =	strace $0x80000047;
	s11 =	ssub.s32 $0x2, s8;
	s12 =	smul.u32 $0x2710, s8  }
0xd: {  	s17 =	sshrl.u32 s11, $0x1;
	s7 =	sadd.s32 s9, s7;
	s9 =	sshrl.u32 s19, $0x2  }
0xe: {  	s19 =	ssub.s32 s11, s17;
	s12 =	sadd.s32 s10, s12;
	s14 =	sshrl.u32 s7, $0x3  }
0xf: {  	s7 =	sadd.s32 $0x2A800, s13;
	s8 =	sadd.s32 s9, s5;
	s20 =	sshll.u32 s12, $0x4  }
0x10: {  	s25 =	smax.u32 s19, $0x1;
	s15 =	sadd.s32 s14, s13;
	s9 =	sadd.s32 $0x4000, s8  }
0x11: {  	s10 =	sadd.s32 $0x8000, s8;
	s11 =	sadd.s32 $0xC000, s8;
	s12 =	sadd.s32 $0x10000, s8  }
0x12: {  	s18 =	sadd.s32 s16, s20;
	s13 =	sadd.s32 $0x2C900, s13;
	[dreg:$0xe] =	wrdreg s25  }
0x13: {  	s22 =	sadd.s32 $0x4E200, s20;
	[dreg:$0x8] =	wrdreg s18;
	s21 =	sadd.s32 s20, s13  }
0x14: {  	s26 =	sadd.s32 $0xC800, s8;
	s23 =	sadd.s32 s16, s22;
	[dreg:$0x9] =	wrdreg s21  }
0x15: {  	s20 =	sadd.s32 $0x9C400, s20;
	s24 =	sadd.s32 s22, s13;
	[dreg:$0xa] =	wrdreg s23  }
0x16: {  	s22 =	sadd.s32 $0x20A00, s15;
	s25 =	sadd.s32 $0x3000, s15;
	[dreg:$0xb] =	wrdreg s24  }
0x17: {  	s16 =	sadd.s32 s16, s20;
	s13 =	sadd.s32 s20, s13;
	s20 =	sadd.s32 $0x16C00, s15  }
0x18: {  	s21 =	sadd.s32 s14, s3;
	s23 =	sadd.s32 s14, s4;
	[dreg:$0xc] =	wrdreg s16  }
0x19: {  	s24 =	sadd.s32 $0xCE00, s15;
	s4 =	simm.s32 $0x0;
	[dreg:$0xd] =	wrdreg s13  }
.LBB2_1:
0x1a: {  	[tilespmem:s28], [sflag:$0x2] =	stream.linear.gather [hbm4b:s7+s6], $0x4000, $0x38;
	[tilespmem:$0x18100] =	vst v63  }
0x1b: {  	_ =	swait.ge [sflag:s29], $0x4000  }
0x1c: {  	[sflag:s29] =	ssyncset.done $0x0  }
0x1d: {  	[sflag:s29] =	ssyncadd.s32 $0xFFFFC000  }
0x1e: {  	[spmem:s8] =	stream.linear.scatter [tilespmem:s28], [sflag:$0x2], $0x4000, $0x38;
	[tilespmem:$0x18100] =	vst v63  }
0x1f: {  	_ =	swait.ge [sflag:s29], $0x4000  }
0x20: {  	[sflag:s29] =	ssyncset.done $0x0  }
0x21: {  	[sflag:s29] =	ssyncadd.s32 $0xFFFFC000  }
0x22: {  	[spmem:s9] =	stream.linear.scatter [tilespmem:s28], [sflag:$0x2], $0x4000, $0x38;
	[tilespmem:$0x18100] =	vst v63  }
0x23: {  	_ =	swait.ge [sflag:s29], $0x4000  }
0x24: {  	[sflag:s29] =	ssyncset.done $0x0  }
0x25: {  	[sflag:s29] =	ssyncadd.s32 $0xFFFFC000  }
0x26: {  	[spmem:s10] =	stream.linear.scatter [tilespmem:s28], [sflag:$0x2], $0x4000, $0x38;
	[tilespmem:$0x18100] =	vst v63  }
0x27: {  	_ =	swait.ge [sflag:s29], $0x4000  }
0x28: {  	[sflag:s29] =	ssyncset.done $0x0  }
0x29: {  	[sflag:s29] =	ssyncadd.s32 $0xFFFFC000  }
0x2a: {  	[spmem:s11] =	stream.linear.scatter [tilespmem:s28], [sflag:$0x2], $0x4000, $0x38;
	[tilespmem:$0x18100] =	vst v63  }
0x2b: {  	_ =	swait.ge [sflag:s29], $0x4000  }
0x2c: {  	[sflag:s29] =	ssyncset.done $0x0  }
0x2d: {  	[sflag:s29] =	ssyncadd.s32 $0xFFFFC000  }
0x2e: {  	[spmem:s12] =	stream.linear.scatter [tilespmem:s28], [sflag:$0x2], $0x4000, $0x38;
	[tilespmem:$0x18100] =	vst v63  }
0x2f: {  	_ =	swait.ge [sflag:s29], $0x4000  }
0x30: {  	[sflag:s29] =	ssyncset.done $0x0  }
0x31: {  	[sflag:s29] =	ssyncadd.s32 $0xFFFFC000  }
0x32: {  	s3 =	sadd.s32 $0x0, s21;
	[bflag:$0x0] =	sbarrier.arrive $0xFFFF  }
0x33: {  	[tilespmem:s6], [sflag:$0x2] =	stream.linear.gather [hbm4b:s3+s6], $0x80, $0x38;
	[tilespmem:$0x18100] =	vst v63  }
0x34: {  	_ =	swait.ge [sflag:s29], $0x80  }
0x35: {  	[sflag:s29] =	ssyncset.done $0x0  }
0x36: {  	[sflag:s29] =	ssyncadd.s32 $0xFFFFFF80  }
0x37: {  	[tilespmem:s28], [sflag:$0x1] =	stream.indirect.gather [hbm4b:s0+s30], $0x80, s6, s30, $0xb8;
	[tilespmem:$0x18100] =	vst v63  }
0x38: {  	_ =	swait.ge [sflag:s31], $0x4000  }
0x39: {  	[sflag:s31] =	ssyncset.done $0x0  }
0x3a: {  	s19 =	sadd.s32 $0x0, s20;
	[sflag:s31] =	ssyncadd.s32 $0xFFFFC000  }
0x3b: {  	[tilespmem:s30], [sflag:$0x2] =	stream.linear.gather [hbm4b:s19+s6], $0x80, $0x38;
	[tilespmem:$0x18100] =	vst v63  }
0x3c: {  	_ =	swait.ge [sflag:s29], $0x80  }
0x3d: {  	[sflag:s29] =	ssyncset.done $0x0  }
0x3e: {  	[sflag:s29] =	ssyncadd.s32 $0xFFFFFF80  }
0x3f: {  	[spmem:s5] =	stream.indirect.scatter.add.f32 [tilespmem:s28], [sflag:$0x2], $0x80, s30, s30, $0xb8;
	[tilespmem:$0x18100] =	vst v63  }
0x40: {  	_ =	swait.ge [sflag:s29], $0x4000  }
0x41: {  	s13 =	simm.s32 $0x20;
	s3 =	simm.s32 $0x10;
	[sflag:s29] =	ssyncset.done $0x0  }
.LBB2_2:
0x42: {  	s14 =	sadd.s32 s3, s21  }
0x43: {  	[sflag:s29] =	ssyncadd.s32 $0xFFFFC000;
	s15 =	smov.u32 s13;
	s16 =	sadd.s32 $0x10, s13  }
0x44: {  	[tilespmem:s6], [sflag:$0x2] =	stream.linear.gather [hbm4b:s14+s6], $0x80, $0x38;
	[tilespmem:$0x18100] =	vst v63  }
0x45: {  	p1 =	sne.s32 s13, $0x4E0;
	_ =	swait.ge [sflag:s29], $0x80  }
0x46: {  	[sflag:s29] =	ssyncset.done $0x0  }
0x47: {  	[sflag:s29] =	ssyncadd.s32 $0xFFFFFF80  }
0x48: {  	[tilespmem:s28], [sflag:$0x1] =	stream.indirect.gather [hbm4b:s0+s30], $0x80, s6, s30, $0xb8;
	[tilespmem:$0x18100] =	vst v63  }
0x49: {  	_ =	swait.ge [sflag:s31], $0x4000  }
0x4a: {  	[sflag:s31] =	ssyncset.done $0x0  }
0x4b: {  	s13 =	sadd.s32 s3, s20;
	s3 =	smov.u32 s15;
	[sflag:s31] =	ssyncadd.s32 $0xFFFFC000  }
0x4c: {  	[tilespmem:s30], [sflag:$0x2] =	stream.linear.gather [hbm4b:s13+s6], $0x80, $0x38;
	[tilespmem:$0x18100] =	vst v63  }
0x4d: {  	_ =	swait.ge [sflag:s29], $0x80  }
.Ltmp0:
0x4e: {  	[sflag:s29] =	ssyncset.done $0x0;
	(pc) =	sbr.rel @p1 .LBB2_2-.Ltmp0, $4  }
0x4f: {  	[sflag:s29] =	ssyncadd.s32 $0xFFFFFF80  }
0x50: {  	[spmem:s5] =	stream.indirect.scatter.add.f32 [tilespmem:s28], [sflag:$0x2], $0x80, s30, s30, $0xb8;
	[tilespmem:$0x18100] =	vst v63  }
0x51: {  	_ =	swait.ge [sflag:s29], $0x4000  }
0x52: {  	s13 =	smov.u32 s16;
	[sflag:s29] =	ssyncset.done $0x0  }
0x53: {  	s13 =	sadd.s32 s3, s21;
	[sflag:s29] =	ssyncadd.s32 $0xFFFFC000  }
0x54: {  	[tilespmem:s6], [sflag:$0x2] =	stream.linear.gather [hbm4b:s13+s6], $0x80, $0x38;
	[tilespmem:$0x18100] =	vst v63  }
0x55: {  	_ =	swait.ge [sflag:s29], $0x80  }
0x56: {  	[sflag:s29] =	ssyncset.done $0x0  }
0x57: {  	[sflag:s29] =	ssyncadd.s32 $0xFFFFFF80  }
0x58: {  	[tilespmem:s28], [sflag:$0x1] =	stream.indirect.gather [hbm4b:s0+s30], $0x80, s6, s30, $0xb8;
	[tilespmem:$0x18100] =	vst v63  }
0x59: {  	_ =	swait.ge [sflag:s31], $0x4000  }
0x5a: {  	[sflag:s31] =	ssyncset.done $0x0  }
0x5b: {  	s15 =	sadd.s32 s3, s20;
	[sflag:s31] =	ssyncadd.s32 $0xFFFFC000  }
0x5c: {  	[tilespmem:s30], [sflag:$0x2] =	stream.linear.gather [hbm4b:s15+s6], $0x80, $0x38;
	[tilespmem:$0x18100] =	vst v63  }
0x5d: {  	_ =	swait.ge [sflag:s29], $0x80  }
0x5e: {  	[sflag:s29] =	ssyncset.done $0x0  }
0x5f: {  	[sflag:s29] =	ssyncadd.s32 $0xFFFFFF80  }
0x60: {  	[spmem:s5] =	stream.indirect.scatter.add.f32 [tilespmem:s28], [sflag:$0x2], $0x80, s30, s30, $0xb8;
	[tilespmem:$0x18100] =	vst v63  }
0x61: {  	_ =	swait.ge [sflag:s29], $0x4000  }
0x62: {  	[sflag:s29] =	ssyncset.done $0x0  }
0x63: {  	s16 =	stileid.u32;
	[sflag:s29] =	ssyncadd.s32 $0xFFFFC000  }
0x64: {  	s3 =	sshll.u32 s16, $0x6;
	[bflag:$0x0] =	sbarrier.arrive $0xFFFF  }
0x65: {  	s13 =	sshrl.u32 s8, $0x3;
	s3 =	sor.u32 $0x1C02, s3;
	s14 =	rddreg [dreg:$0x8]  }
0x66: {  	[hbm:s14], [sflag:s3] =	dma.local [spmem:s13], $0x1900  }
0x67: {  	_ =	swait.ge [sflag:s29], $0x1900  }
0x68: {  	[sflag:s29] =	ssyncset.done $0x0  }
0x69: {  	s14 =	sshrl.u32 @!p0 s26, $0x3;
	s15 =	rddreg [dreg:$0x9];
	[sflag:s29] =	ssyncadd.s32 $0xFFFFE700  }
0x6a: {  	[hbm:s15], [sflag:s3] =	dma.local @!p0 [spmem:s14], $0xF00  }
0x6b: {  	s15 =	simm.s32 @!p0 $0x2  }
0x6c: {  	_ =	swait.ge @!p0 [sflag:s15], $0xF00  }
0x6d: {  	[sflag:s15] =	ssyncset.done @!p0 $0x0  }
0x6e: {  	[sflag:s15] =	ssyncadd.s32 @!p0 $0xFFFFF100  }
0x6f: {  	s17 =	simm.s32 $0x0;
	[bflag:$0x0] =	sbarrier.arrive $0xFFFF  }
0x70: {  	[tilespmem:s28], [sflag:$0x2] =	stream.linear.gather [hbm4b:s7+s17], $0x4000, $0x38;
	[tilespmem:$0x18100] =	vst v63  }
0x71: {  	_ =	swait.ge [sflag:s29], $0x4000  }
0x72: {  	[sflag:s29] =	ssyncset.done $0x0  }
0x73: {  	[sflag:s29] =	ssyncadd.s32 $0xFFFFC000  }
0x74: {  	[spmem:s8] =	stream.linear.scatter [tilespmem:s28], [sflag:$0x2], $0x4000, $0x38;
	[tilespmem:$0x18100] =	vst v63  }
0x75: {  	_ =	swait.ge [sflag:s29], $0x4000  }
0x76: {  	[sflag:s29] =	ssyncset.done $0x0  }
0x77: {  	[sflag:s29] =	ssyncadd.s32 $0xFFFFC000  }
0x78: {  	[spmem:s9] =	stream.linear.scatter [tilespmem:s28], [sflag:$0x2], $0x4000, $0x38;
	[tilespmem:$0x18100] =	vst v63  }
0x79: {  	_ =	swait.ge [sflag:s29], $0x4000  }
0x7a: {  	[sflag:s29] =	ssyncset.done $0x0  }
0x7b: {  	[sflag:s29] =	ssyncadd.s32 $0xFFFFC000  }
0x7c: {  	[spmem:s10] =	stream.linear.scatter [tilespmem:s28], [sflag:$0x2], $0x4000, $0x38;
	[tilespmem:$0x18100] =	vst v63  }
0x7d: {  	_ =	swait.ge [sflag:s29], $0x4000  }
0x7e: {  	[sflag:s29] =	ssyncset.done $0x0  }
0x7f: {  	[sflag:s29] =	ssyncadd.s32 $0xFFFFC000  }
0x80: {  	[spmem:s11] =	stream.linear.scatter [tilespmem:s28], [sflag:$0x2], $0x4000, $0x38;
	[tilespmem:$0x18100] =	vst v63  }
0x81: {  	_ =	swait.ge [sflag:s29], $0x4000  }
0x82: {  	[sflag:s29] =	ssyncset.done $0x0  }
0x83: {  	[sflag:s29] =	ssyncadd.s32 $0xFFFFC000  }
0x84: {  	[spmem:s12] =	stream.linear.scatter [tilespmem:s28], [sflag:$0x2], $0x4000, $0x38;
	[tilespmem:$0x18100] =	vst v63  }
0x85: {  	_ =	swait.ge [sflag:s29], $0x4000  }
0x86: {  	[sflag:s29] =	ssyncset.done $0x0  }
0x87: {  	[sflag:s29] =	ssyncadd.s32 $0xFFFFC000  }
0x88: {  	s18 =	sadd.s32 $0x0, s23;
	[bflag:$0x0] =	sbarrier.arrive $0xFFFF  }
0x89: {  	[tilespmem:s6], [sflag:$0x2] =	stream.linear.gather [hbm4b:s18+s6], $0x80, $0x38;
	[tilespmem:$0x18100] =	vst v63  }
0x8a: {  	_ =	swait.ge [sflag:s29], $0x80  }
0x8b: {  	[sflag:s29] =	ssyncset.done $0x0  }
0x8c: {  	[sflag:s29] =	ssyncadd.s32 $0xFFFFFF80  }
0x8d: {  	[tilespmem:s28], [sflag:$0x1] =	stream.indirect.gather [hbm4b:s1+s30], $0x80, s6, s30, $0xb8;
	[tilespmem:$0x18100] =	vst v63  }
0x8e: {  	_ =	swait.ge [sflag:s31], $0x4000  }
0x8f: {  	[sflag:s31] =	ssyncset.done $0x0  }
0x90: {  	s19 =	sadd.s32 $0x0, s22;
	[sflag:s31] =	ssyncadd.s32 $0xFFFFC000  }
0x91: {  	[tilespmem:s30], [sflag:$0x2] =	stream.linear.gather [hbm4b:s19+s6], $0x80, $0x38;
	[tilespmem:$0x18100] =	vst v63  }
0x92: {  	_ =	swait.ge [sflag:s29], $0x80  }
0x93: {  	[sflag:s29] =	ssyncset.done $0x0  }
0x94: {  	[sflag:s29] =	ssyncadd.s32 $0xFFFFFF80  }
0x95: {  	[spmem:s5] =	stream.indirect.scatter.add.f32 [tilespmem:s28], [sflag:$0x2], $0x80, s30, s30, $0xb8;
	[tilespmem:$0x18100] =	vst v63  }
0x96: {  	_ =	swait.ge [sflag:s29], $0x4000  }
0x97: {  	s16 =	simm.s32 $0x20;
	s15 =	simm.s32 $0x10;
	[sflag:s29] =	ssyncset.done $0x0  }
.LBB2_4:
0x98: {  	s17 =	sadd.s32 s15, s23  }
0x99: {  	[sflag:s29] =	ssyncadd.s32 $0xFFFFC000;
	s18 =	smov.u32 s16;
	s19 =	sadd.s32 $0x10, s16  }
0x9a: {  	[tilespmem:s6], [sflag:$0x2] =	stream.linear.gather [hbm4b:s17+s6], $0x80, $0x38;
	[tilespmem:$0x18100] =	vst v63  }
0x9b: {  	p1 =	sne.s32 s16, $0x4E0;
	_ =	swait.ge [sflag:s29], $0x80  }
0x9c: {  	[sflag:s29] =	ssyncset.done $0x0  }
0x9d: {  	[sflag:s29] =	ssyncadd.s32 $0xFFFFFF80  }
0x9e: {  	[tilespmem:s28], [sflag:$0x1] =	stream.indirect.gather [hbm4b:s1+s30], $0x80, s6, s30, $0xb8;
	[tilespmem:$0x18100] =	vst v63  }
0x9f: {  	_ =	swait.ge [sflag:s31], $0x4000  }
0xa0: {  	[sflag:s31] =	ssyncset.done $0x0  }
0xa1: {  	s16 =	sadd.s32 s15, s22;
	s15 =	smov.u32 s18;
	[sflag:s31] =	ssyncadd.s32 $0xFFFFC000  }
0xa2: {  	[tilespmem:s30], [sflag:$0x2] =	stream.linear.gather [hbm4b:s16+s6], $0x80, $0x38;
	[tilespmem:$0x18100] =	vst v63  }
0xa3: {  	_ =	swait.ge [sflag:s29], $0x80  }
.Ltmp1:
0xa4: {  	[sflag:s29] =	ssyncset.done $0x0;
	(pc) =	sbr.rel @p1 .LBB2_4-.Ltmp1, $4  }
0xa5: {  	[sflag:s29] =	ssyncadd.s32 $0xFFFFFF80  }
0xa6: {  	[spmem:s5] =	stream.indirect.scatter.add.f32 [tilespmem:s28], [sflag:$0x2], $0x80, s30, s30, $0xb8;
	[tilespmem:$0x18100] =	vst v63  }
0xa7: {  	_ =	swait.ge [sflag:s29], $0x4000  }
0xa8: {  	s16 =	smov.u32 s19;
	[sflag:s29] =	ssyncset.done $0x0  }
0xa9: {  	s16 =	sadd.s32 s15, s23;
	[sflag:s29] =	ssyncadd.s32 $0xFFFFC000  }
0xaa: {  	[tilespmem:s6], [sflag:$0x2] =	stream.linear.gather [hbm4b:s16+s6], $0x80, $0x38;
	[tilespmem:$0x18100] =	vst v63  }
0xab: {  	_ =	swait.ge [sflag:s29], $0x80  }
0xac: {  	[sflag:s29] =	ssyncset.done $0x0  }
0xad: {  	[sflag:s29] =	ssyncadd.s32 $0xFFFFFF80  }
0xae: {  	[tilespmem:s28], [sflag:$0x1] =	stream.indirect.gather [hbm4b:s1+s30], $0x80, s6, s30, $0xb8;
	[tilespmem:$0x18100] =	vst v63  }
0xaf: {  	_ =	swait.ge [sflag:s31], $0x4000  }
0xb0: {  	[sflag:s31] =	ssyncset.done $0x0  }
0xb1: {  	s19 =	sadd.s32 s15, s22;
	[sflag:s31] =	ssyncadd.s32 $0xFFFFC000  }
0xb2: {  	[tilespmem:s30], [sflag:$0x2] =	stream.linear.gather [hbm4b:s19+s6], $0x80, $0x38;
	[tilespmem:$0x18100] =	vst v63  }
0xb3: {  	_ =	swait.ge [sflag:s29], $0x80  }
0xb4: {  	[sflag:s29] =	ssyncset.done $0x0  }
0xb5: {  	[sflag:s29] =	ssyncadd.s32 $0xFFFFFF80  }
0xb6: {  	[spmem:s5] =	stream.indirect.scatter.add.f32 [tilespmem:s28], [sflag:$0x2], $0x80, s30, s30, $0xb8;
	[tilespmem:$0x18100] =	vst v63  }
0xb7: {  	_ =	swait.ge [sflag:s29], $0x4000  }
0xb8: {  	[sflag:s29] =	ssyncset.done $0x0  }
0xb9: {  	[sflag:s29] =	ssyncadd.s32 $0xFFFFC000  }
0xba: {  	[bflag:$0x0] =	sbarrier.arrive $0xFFFF  }
0xbb: {  	s16 =	rddreg [dreg:$0xa]  }
0xbc: {  	[hbm:s16], [sflag:s3] =	dma.local [spmem:s13], $0x1900  }
0xbd: {  	_ =	swait.ge [sflag:s29], $0x1900  }
0xbe: {  	[sflag:s29] =	ssyncset.done $0x0  }
0xbf: {  	s15 =	rddreg [dreg:$0xb];
	[sflag:s29] =	ssyncadd.s32 $0xFFFFE700  }
0xc0: {  	[hbm:s15], [sflag:s3] =	dma.local @!p0 [spmem:s14], $0xF00  }
0xc1: {  	s15 =	simm.s32 @!p0 $0x2  }
0xc2: {  	_ =	swait.ge @!p0 [sflag:s15], $0xF00  }
0xc3: {  	[sflag:s15] =	ssyncset.done @!p0 $0x0  }
0xc4: {  	[sflag:s15] =	ssyncadd.s32 @!p0 $0xFFFFF100  }
0xc5: {  	s17 =	simm.s32 $0x0;
	[bflag:$0x0] =	sbarrier.arrive $0xFFFF  }
0xc6: {  	[tilespmem:s28], [sflag:$0x2] =	stream.linear.gather [hbm4b:s7+s17], $0x4000, $0x38;
	[tilespmem:$0x18100] =	vst v63  }
0xc7: {  	_ =	swait.ge [sflag:s29], $0x4000  }
0xc8: {  	[sflag:s29] =	ssyncset.done $0x0  }
0xc9: {  	[sflag:s29] =	ssyncadd.s32 $0xFFFFC000  }
0xca: {  	[spmem:s8] =	stream.linear.scatter [tilespmem:s28], [sflag:$0x2], $0x4000, $0x38;
	[tilespmem:$0x18100] =	vst v63  }
0xcb: {  	_ =	swait.ge [sflag:s29], $0x4000  }
0xcc: {  	[sflag:s29] =	ssyncset.done $0x0  }
0xcd: {  	[sflag:s29] =	ssyncadd.s32 $0xFFFFC000  }
0xce: {  	[spmem:s9] =	stream.linear.scatter [tilespmem:s28], [sflag:$0x2], $0x4000, $0x38;
	[tilespmem:$0x18100] =	vst v63  }
0xcf: {  	_ =	swait.ge [sflag:s29], $0x4000  }
0xd0: {  	[sflag:s29] =	ssyncset.done $0x0  }
0xd1: {  	[sflag:s29] =	ssyncadd.s32 $0xFFFFC000  }
0xd2: {  	[spmem:s10] =	stream.linear.scatter [tilespmem:s28], [sflag:$0x2], $0x4000, $0x38;
	[tilespmem:$0x18100] =	vst v63  }
0xd3: {  	_ =	swait.ge [sflag:s29], $0x4000  }
0xd4: {  	[sflag:s29] =	ssyncset.done $0x0  }
0xd5: {  	[sflag:s29] =	ssyncadd.s32 $0xFFFFC000  }
0xd6: {  	[spmem:s11] =	stream.linear.scatter [tilespmem:s28], [sflag:$0x2], $0x4000, $0x38;
	[tilespmem:$0x18100] =	vst v63  }
0xd7: {  	_ =	swait.ge [sflag:s29], $0x4000  }
0xd8: {  	[sflag:s29] =	ssyncset.done $0x0  }
0xd9: {  	[sflag:s29] =	ssyncadd.s32 $0xFFFFC000  }
0xda: {  	[spmem:s12] =	stream.linear.scatter [tilespmem:s28], [sflag:$0x2], $0x4000, $0x38;
	[tilespmem:$0x18100] =	vst v63  }
0xdb: {  	_ =	swait.ge [sflag:s29], $0x4000  }
0xdc: {  	[sflag:s29] =	ssyncset.done $0x0  }
0xdd: {  	[sflag:s29] =	ssyncadd.s32 $0xFFFFC000  }
0xde: {  	s18 =	sadd.s32 $0x0, s25;
	[bflag:$0x0] =	sbarrier.arrive $0xFFFF  }
0xdf: {  	[tilespmem:s6], [sflag:$0x2] =	stream.linear.gather [hbm4b:s18+s6], $0x80, $0x38;
	[tilespmem:$0x18100] =	vst v63  }
0xe0: {  	_ =	swait.ge [sflag:s29], $0x80  }
0xe1: {  	[sflag:s29] =	ssyncset.done $0x0  }
0xe2: {  	[sflag:s29] =	ssyncadd.s32 $0xFFFFFF80  }
0xe3: {  	[tilespmem:s28], [sflag:$0x1] =	stream.indirect.gather [hbm4b:s2+s30], $0x80, s6, s30, $0xb8;
	[tilespmem:$0x18100] =	vst v63  }
0xe4: {  	_ =	swait.ge [sflag:s31], $0x4000  }
0xe5: {  	[sflag:s31] =	ssyncset.done $0x0  }
0xe6: {  	s19 =	sadd.s32 $0x0, s24;
	[sflag:s31] =	ssyncadd.s32 $0xFFFFC000  }
0xe7: {  	[tilespmem:s30], [sflag:$0x2] =	stream.linear.gather [hbm4b:s19+s6], $0x80, $0x38;
	[tilespmem:$0x18100] =	vst v63  }
0xe8: {  	_ =	swait.ge [sflag:s29], $0x80  }
0xe9: {  	[sflag:s29] =	ssyncset.done $0x0  }
0xea: {  	[sflag:s29] =	ssyncadd.s32 $0xFFFFFF80  }
0xeb: {  	[spmem:s5] =	stream.indirect.scatter.add.f32 [tilespmem:s28], [sflag:$0x2], $0x80, s30, s30, $0xb8;
	[tilespmem:$0x18100] =	vst v63  }
0xec: {  	_ =	swait.ge [sflag:s29], $0x4000  }
0xed: {  	s16 =	simm.s32 $0x20;
	s15 =	simm.s32 $0x10;
	[sflag:s29] =	ssyncset.done $0x0  }
.LBB2_6:
0xee: {  	s17 =	sadd.s32 s15, s25  }
0xef: {  	[sflag:s29] =	ssyncadd.s32 $0xFFFFC000;
	s18 =	smov.u32 s16;
	s19 =	sadd.s32 $0x10, s16  }
0xf0: {  	[tilespmem:s6], [sflag:$0x2] =	stream.linear.gather [hbm4b:s17+s6], $0x80, $0x38;
	[tilespmem:$0x18100] =	vst v63  }
0xf1: {  	p1 =	sne.s32 s16, $0x4E0;
	_ =	swait.ge [sflag:s29], $0x80  }
0xf2: {  	[sflag:s29] =	ssyncset.done $0x0  }
0xf3: {  	[sflag:s29] =	ssyncadd.s32 $0xFFFFFF80  }
0xf4: {  	[tilespmem:s28], [sflag:$0x1] =	stream.indirect.gather [hbm4b:s2+s30], $0x80, s6, s30, $0xb8;
	[tilespmem:$0x18100] =	vst v63  }
0xf5: {  	_ =	swait.ge [sflag:s31], $0x4000  }
0xf6: {  	[sflag:s31] =	ssyncset.done $0x0  }
0xf7: {  	s16 =	sadd.s32 s15, s24;
	s15 =	smov.u32 s18;
	[sflag:s31] =	ssyncadd.s32 $0xFFFFC000  }
0xf8: {  	[tilespmem:s30], [sflag:$0x2] =	stream.linear.gather [hbm4b:s16+s6], $0x80, $0x38;
	[tilespmem:$0x18100] =	vst v63  }
0xf9: {  	_ =	swait.ge [sflag:s29], $0x80  }
.Ltmp2:
0xfa: {  	[sflag:s29] =	ssyncset.done $0x0;
	(pc) =	sbr.rel @p1 .LBB2_6-.Ltmp2, $4  }
0xfb: {  	[sflag:s29] =	ssyncadd.s32 $0xFFFFFF80  }
0xfc: {  	[spmem:s5] =	stream.indirect.scatter.add.f32 [tilespmem:s28], [sflag:$0x2], $0x80, s30, s30, $0xb8;
	[tilespmem:$0x18100] =	vst v63  }
0xfd: {  	_ =	swait.ge [sflag:s29], $0x4000  }
0xfe: {  	s16 =	smov.u32 s19;
	[sflag:s29] =	ssyncset.done $0x0  }
0xff: {  	s16 =	sadd.s32 s15, s25;
	[sflag:s29] =	ssyncadd.s32 $0xFFFFC000  }
0x100: {  	[tilespmem:s6], [sflag:$0x2] =	stream.linear.gather [hbm4b:s16+s6], $0x80, $0x38;
	[tilespmem:$0x18100] =	vst v63  }
0x101: {  	_ =	swait.ge [sflag:s29], $0x80  }
0x102: {  	[sflag:s29] =	ssyncset.done $0x0  }
0x103: {  	[sflag:s29] =	ssyncadd.s32 $0xFFFFFF80  }
0x104: {  	[tilespmem:s28], [sflag:$0x1] =	stream.indirect.gather [hbm4b:s2+s30], $0x80, s6, s30, $0xb8;
	[tilespmem:$0x18100] =	vst v63  }
0x105: {  	_ =	swait.ge [sflag:s31], $0x4000  }
0x106: {  	[sflag:s31] =	ssyncset.done $0x0  }
0x107: {  	s17 =	sadd.s32 s15, s24;
	[sflag:s31] =	ssyncadd.s32 $0xFFFFC000  }
0x108: {  	[tilespmem:s30], [sflag:$0x2] =	stream.linear.gather [hbm4b:s17+s6], $0x80, $0x38;
	[tilespmem:$0x18100] =	vst v63  }
0x109: {  	_ =	swait.ge [sflag:s29], $0x80  }
0x10a: {  	[sflag:s29] =	ssyncset.done $0x0  }
0x10b: {  	[sflag:s29] =	ssyncadd.s32 $0xFFFFFF80  }
0x10c: {  	[spmem:s5] =	stream.indirect.scatter.add.f32 [tilespmem:s28], [sflag:$0x2], $0x80, s30, s30, $0xb8;
	[tilespmem:$0x18100] =	vst v63  }
0x10d: {  	_ =	swait.ge [sflag:s29], $0x4000  }
0x10e: {  	[sflag:s29] =	ssyncset.done $0x0  }
0x10f: {  	[sflag:s29] =	ssyncadd.s32 $0xFFFFC000  }
0x110: {  	[bflag:$0x0] =	sbarrier.arrive $0xFFFF  }
0x111: {  	s18 =	rddreg [dreg:$0xc]  }
0x112: {  	[hbm:s18], [sflag:s3] =	dma.local [spmem:s13], $0x1900  }
0x113: {  	_ =	swait.ge [sflag:s29], $0x1900  }
0x114: {  	[sflag:s29] =	ssyncset.done $0x0  }
0x115: {  	s13 =	rddreg [dreg:$0xd];
	[sflag:s29] =	ssyncadd.s32 $0xFFFFE700  }
0x116: {  	[hbm:s13], [sflag:s3] =	dma.local @!p0 [spmem:s14], $0xF00  }
0x117: {  	s3 =	simm.s32 @!p0 $0x2  }
0x118: {  	_ =	swait.ge @!p0 [sflag:s3], $0xF00  }
0x119: {  	s4 =	sadd.s32 $0x1, s4;
	s19 =	rddreg [dreg:$0xe]  }
0x11a: {  	p1 =	sne.s32 s4, s19  }
.Ltmp3:
0x11b: {  	_ = 	snop;
	(pc) =	sbr.rel @p1 .LBB2_1-.Ltmp3, $3  }
0x11c: {  	[sflag:s3] =	ssyncset.done @!p0 $0x0  }
0x11d: {  	[sflag:s3] =	ssyncadd.s32 @!p0 $0xFFFFF100  }
0x11e: {  	[bflag:$0x0] =	sbarrier.arrive $0xFFFF;
	_ =	sdelay $0x1  }
0x11f: {  	_ =	sfence.sel $0x180000  }
0x120: {  	[bflag:$0x0] =	sbarrier.arrive $0xFFFF  }
0x121: {  	_ =	strace $0x90000047  }
0x122: {  	s0 =	stileid.u32;
	[bflag:$0x2] =	sbarrier.arrive $0xFFFF  }
0x123: {  	p0 =	sne.s32 s0, $0x0;
	s0 =	rddreg [dreg:$0x7]  }
0x124: {  	s0 =	sadd.s32 @!p0 $0x100000, s0  }
0x125: {  	[sflag:s0] =	ssyncadd.tile.s32 @!p0 $0x1;
	_ =	shalt  }
.Lfunc_end2:
_tile_overlayer_lowered:
.L_overlay_start_2:
0x126: {  	(tag) =	ssettag $0x2  }
0x127: {  	s0 =	rddreg [dreg:$0x0];
	s2 =	stileid.u32  }
0x128: {  	s1 =	rddreg [dreg:$0x1];
	p0 =	sne.s32 s2, $0x0  }
0x129: {  	s3 =	rddreg [dreg:$0x2];
	[bflag:$0x3] =	sbarrier.arrive $0xFFFF;
	s2 =	simm.s32 @!p0 $0x1C02  }
0x12a: {  	[timem:s3], [sflag:s2] =	dma.local @!p0 [hbm:s0], s1  }
0x12b: {  	s0 =	simm.s32 @!p0 $0x2  }
0x12c: {  	_ =	swait.ge @!p0 [sflag:s0], s1  }
0x12d: {  	s1 =	ssub.s32 @!p0 $0x0, s1;
	[sflag:s0] =	ssyncset.done @!p0 $0x0  }
0x12e: {  	[sflag:s0] =	ssyncadd.s32 @!p0 s1  }
0x12f: {  	[bflag:$0x3] =	sbarrier.arrive $0xFFFF  }
0x130: {  	_ =	shalt  }

</sc_bundles>
